<compile_context>
chip_gen: v7x
topology: tpu7x:2x2x1
jax: 0.10.2.dev20260603
libtpu: 0.0.44.dev20260713+nightly
codegen_flags: <defaults>
</compile_context>

<pallas_src>
import functools

import jax
import jax.numpy as jnp
from jax import lax
from jax.experimental import pallas as pl
from jax.experimental.pallas import tpu as pltpu
from jax.experimental.pallas import tpu_sc as plsc

_B = 16
_M = 1000
_MP = 1024
_GENE = 978
_DIM = 16

_NC = 2
_NS = 16
_NW = _NC * _NS
_FLAT_PAD = _B * _MP
_BW = _FLAT_PAD // _NW

_GBLK = 89
_GSTEPS = 11


def _sc_gather_t(x_t, emb_t):
    mesh = plsc.VectorSubcoreMesh(core_axis_name="c", subcore_axis_name="s")

    @functools.partial(
        pl.kernel,
        mesh=mesh,
        out_type=jax.ShapeDtypeStruct((_DIM, _FLAT_PAD), jnp.float32),
        scratch_types=[
            pltpu.VMEM((_DIM, _MP), jnp.float32),
            pltpu.VMEM((_B, _MP), jnp.float32),
            pltpu.VMEM((_DIM, _BW), jnp.float32),
        ],
        compiler_params=pltpu.CompilerParams(needs_layout_passes=False),
    )
    def gather_kernel(x_hbm, emb_hbm, out_hbm, emb_v, fidx_v, colbuf):
        wid = lax.axis_index("s") * _NC + lax.axis_index("c")
        b = wid // 2
        mbase = (wid % 2) * _BW
        pltpu.sync_copy(emb_hbm, emb_v)
        pltpu.sync_copy(x_hbm, fidx_v)

        def body(t, carry):
            f16 = fidx_v[b, pl.ds(mbase + t * 16, 16)]
            iv = jnp.clip(f16.astype(jnp.int32), 0, _M - 1)
            for k in range(_DIM):
                kvec = jnp.full((16,), k, jnp.int32)
                colbuf[k, pl.ds(t * 16, 16)] = plsc.load_gather(emb_v, [kvec, iv])
            return carry

        lax.fori_loop(0, _BW // 16, body, 0)
        pltpu.sync_copy(colbuf, out_hbm.at[:, pl.ds(wid * _BW, _BW)])

    return gather_kernel(x_t, emb_t)


def _tc_cell_body(x_ref, w_ref, acc_ref):
    j = pl.program_id(0)

    @pl.when(j == 0)
    def _init():
        acc_ref[...] = jnp.zeros_like(acc_ref)

    w = w_ref[0]
    for b in range(_B):
        xb = x_ref[:, b, :]
        pm = lax.dot_general(
            w, xb, (((1,), (0,)), ((), ())), preferred_element_type=jnp.float32
        )
        acc_ref[:, b * _MP : b * _MP + _M] += pm


def _tc_combine_body(acc_ref, rows_ref, b_ref, o_ref):
    cell = acc_ref[...] + b_ref[...]
    rows = rows_ref[...]
    rssq = jnp.sum(rows * rows, axis=0, keepdims=True)
    nr = jnp.sqrt(rssq)
    scale = jnp.minimum(1.0, 1.0 / (nr + 1e-7))
    dot = jnp.sum(cell * rows, axis=0, keepdims=True) * scale
    n1 = jnp.maximum(jnp.sqrt(jnp.sum(cell * cell, axis=0, keepdims=True)), 1e-6)
    n2 = jnp.maximum(nr * scale, 1e-6)
    cosf = dot / (n1 * n2)
    for b in range(_B):
        o_ref[b, :] = cosf[0, b * _MP : (b + 1) * _MP]


def kernel(input, W, b, emb):
    x_t = jnp.transpose(input, (2, 0, 1))
    fidx_pad = jnp.pad(input[:, :, -1], ((0, 0), (0, _MP - _M)))
    emb_tp = jnp.pad(jnp.transpose(emb), ((0, 0), (0, _MP - _M)))
    rows_t = _sc_gather_t(fidx_pad, emb_tp)

    w3 = jnp.pad(W, ((0, 0), (0, 1))).reshape(_DIM, _GSTEPS, _GBLK)
    w3 = jnp.transpose(w3, (1, 0, 2))

    acc = pl.pallas_call(
        _tc_cell_body,
        grid=(_GSTEPS,),
        in_specs=[
            pl.BlockSpec((_GBLK, _B, _M), lambda j: (j, 0, 0)),
            pl.BlockSpec((1, _DIM, _GBLK), lambda j: (j, 0, 0)),
        ],
        out_specs=pl.BlockSpec((_DIM, _FLAT_PAD), lambda j: (0, 0)),
        out_shape=jax.ShapeDtypeStruct((_DIM, _FLAT_PAD), jnp.float32),
    )(x_t, w3)

    b2 = b.reshape(_DIM, 1)
    cos = pl.pallas_call(
        _tc_combine_body,
        in_specs=[
            pl.BlockSpec((_DIM, _FLAT_PAD), lambda: (0, 0)),
            pl.BlockSpec((_DIM, _FLAT_PAD), lambda: (0, 0)),
            pl.BlockSpec((_DIM, 1), lambda: (0, 0)),
        ],
        out_specs=pl.BlockSpec((_B, _MP), lambda: (0, 0)),
        out_shape=jax.ShapeDtypeStruct((_B, _MP), jnp.float32),
    )(acc, rows_t, b2)

    return cos[:, :_M, None]

# --- scband reference (transcript-rebuilt; emitter-appended) ---
"""Pipeline reference for scband-linear-model-42477226557964 (READ-ONLY COPY).

The authoritative reference and input builder live on the scoring server;
editing this copy changes nothing except your own understanding.
"""

import jax, jax.numpy as jnp
import numpy as np

B = 16
M = 1000
GENE = 978
DIM = 16  # drug_dim == cell_dim (required by CosineSimilarity over dim=2)


def setup_inputs(seed: int = 0) -> dict:
    key = jax.random.key(seed)
    k1, k2, k3, k4 = jax.random.split(key, 4)
    # last column of `input` carries the drug index (as float, cast to int in forward)
    feats = jax.random.normal(k1, (B, M, GENE), dtype=jnp.float32)
    idx = jax.random.randint(k2, (B, M), 0, M).astype(jnp.float32)
    inp = jnp.concatenate([feats, idx[..., None]], axis=-1)
    # cell_layer: Linear(gene_dim -> cell_dim), orthogonal-ish init approximated by scaled normal
    W = jax.random.normal(k3, (DIM, GENE), dtype=jnp.float32) * (1.0 / np.sqrt(GENE))
    b = jnp.zeros((DIM,), dtype=jnp.float32)
    # drug embedding table (M, drug_dim), max_norm=1 applied at lookup time
    emb = jax.random.normal(k4, (M, DIM), dtype=jnp.float32) * (1.0 / np.sqrt(DIM))
    return {"input": inp, "W": W, "b": b, "emb": emb}


def reference(input, W, b, emb):
    Bc = input.shape[0]
    cell_fts = input[:, :, :-1]                      # [B, M, gene_dim]
    drug_index = input[:, :, -1].astype(jnp.int32)   # [B, M]
    # cell_layer
    cell_emb = jnp.einsum('bmg,dg->bmd', cell_fts, W) + b  # [B, M, cell_dim]
    # embedding lookup with max_norm=1 renormalization (as in nn.Embedding(max_norm=1))
    rows = jnp.take(emb, drug_index, axis=0)          # [B, M, drug_dim]
    norms = jnp.linalg.norm(rows, axis=-1, keepdims=True)
    scale = jnp.minimum(1.0, 1.0 / (norms + 1e-7))
    drug_emb = rows * scale
    # CosineSimilarity(dim=2, eps=1e-6)
    dot = jnp.sum(cell_emb * drug_emb, axis=2)
    n1 = jnp.maximum(jnp.linalg.norm(cell_emb, axis=2), 1e-6)
    n2 = jnp.maximum(jnp.linalg.norm(drug_emb, axis=2), 1e-6)
    cos1 = dot / (n1 * n2)
    return cos1.reshape(Bc, M, 1)

if __name__ == "__main__":
    import jax
    _d = setup_inputs()
    print(jax.jit(kernel)(*tuple(_d.values())))

</pallas_src>

<mosaic_0001>
#map = affine_map<(d0, d1) -> (0, 0)>
module attributes {stable_mosaic.version = 14 : i64} {
  func.func @gather_kernel(%arg0: i32, %arg1: i32, %arg2: memref<16x1024xf32, #tpu.memory_space<hbm>>, %arg3: memref<16x1024xf32, #tpu.memory_space<hbm>>, %arg4: memref<16x16384xf32, #tpu.memory_space<hbm>>, %arg5: memref<16x1024xf32, #tpu.memory_space<vmem>>, %arg6: memref<16x1024xf32, #tpu.memory_space<vmem>>, %arg7: memref<16x512xf32, #tpu.memory_space<vmem>>) attributes {dimension_semantics = [#tpu.dimension_semantics<core_parallel>, #tpu.dimension_semantics<subcore_parallel>], iteration_bounds = array<i64: 2, 16>, scalar_prefetch = 0 : i64, scratch_operands = 3 : i64, tpu.core_type = #tpu.core_type<sc_vector_subcore>, window_params = [{transform_indices = #map}, {transform_indices = #map}, {transform_indices = #map}]} {
    %mul3A = arith.constant 2 : i32
    %mul3A_0 = arith.muli %arg1, %mul3A : i32
    %add3A = arith.addi %mul3A_0, %arg0 : i32
    %jit3A = arith.constant 2 : i32
    %div3A = arith.divsi %add3A, %jit3A : i32
    %sign3A = arith.constant 0 : i32
    %sign3A_1 = arith.cmpi sgt, %add3A, %sign3A : i32
    %sign3A_2 = arith.extui %sign3A_1 : i1 to i32
    %sign3A_3 = arith.constant 0 : i32
    %sign3A_4 = arith.cmpi slt, %add3A, %sign3A_3 : i32
    %sign3A_5 = arith.extui %sign3A_4 : i1 to i32
    %sign3A_6 = arith.subi %sign3A_2, %sign3A_5 : i32
    %sign3A_7 = arith.constant 0 : i32
    %sign3A_8 = arith.cmpi sgt, %jit3A, %sign3A_7 : i32
    %sign3A_9 = arith.extui %sign3A_8 : i1 to i32
    %sign3A_10 = arith.constant 0 : i32
    %sign3A_11 = arith.cmpi slt, %jit3A, %sign3A_10 : i32
    %sign3A_12 = arith.extui %sign3A_11 : i1 to i32
    %sign3A_13 = arith.subi %sign3A_9, %sign3A_12 : i32
    %ne3A = arith.cmpi ne, %sign3A_6, %sign3A_13 : i32
    %rem3A = arith.remsi %add3A, %jit3A : i32
    %ne3A_14 = arith.constant 0 : i32
    %ne3A_15 = arith.cmpi ne, %rem3A, %ne3A_14 : i32
    %and3A = arith.andi %ne3A, %ne3A_15 : i1
    %sub3A = arith.constant 1 : i32
    %sub3A_16 = arith.subi %div3A, %sub3A : i32
    %select_n3A = arith.select %and3A, %sub3A_16, %div3A : i32
    %jit3A_17 = arith.constant 2 : i32
    %eq3A = arith.constant 0 : i32
    %eq3A_18 = arith.cmpi eq, %jit3A_17, %eq3A : i32
    %jit3A_19 = arith.constant 1 : i32
    %select_n3A_20 = arith.select %eq3A_18, %jit3A_19, %jit3A_17 : i32
    %rem3A_21 = arith.remsi %add3A, %select_n3A_20 : i32
    %ne3A_22 = arith.constant 0 : i32
    %ne3A_23 = arith.cmpi ne, %rem3A_21, %ne3A_22 : i32
    %lt3A = arith.constant 0 : i32
    %lt3A_24 = arith.cmpi slt, %rem3A_21, %lt3A : i32
    %lt3A_25 = arith.constant 0 : i32
    %lt3A_26 = arith.cmpi slt, %select_n3A_20, %lt3A_25 : i32
    %ne3A_27 = arith.xori %lt3A_24, %lt3A_26 : i1
    %and3A_28 = arith.andi %ne3A_27, %ne3A_23 : i1
    %add3A_29 = arith.addi %rem3A_21, %select_n3A_20 : i32
    %select_n3A_30 = arith.select %and3A_28, %add3A_29, %rem3A_21 : i32
    %mul3A_31 = arith.constant 512 : i32
    %mul3A_32 = arith.muli %select_n3A_30, %mul3A_31 : i32
    "tpu.region"() ({
      %run_scoped3A = tpu.sem_alloc : memref<!tpu.dma_semaphore, #tpu.memory_space<semaphore_mem>>
      tpu.enqueue_dma source(%arg3 : memref<16x1024xf32, #tpu.memory_space<hbm>>) target(%arg5 : memref<16x1024xf32, #tpu.memory_space<vmem>>) target_semaphore(%run_scoped3A : memref<!tpu.dma_semaphore, #tpu.memory_space<semaphore_mem>>)
      tpu.wait_dma2 semaphore(%run_scoped3A : memref<!tpu.dma_semaphore, #tpu.memory_space<semaphore_mem>>) src(%arg3 : memref<16x1024xf32, #tpu.memory_space<hbm>>) dst(%arg5 : memref<16x1024xf32, #tpu.memory_space<vmem>>)
      tpu.yield
    }) : () -> ()
    "tpu.region"() ({
      %run_scoped3A = tpu.sem_alloc : memref<!tpu.dma_semaphore, #tpu.memory_space<semaphore_mem>>
      tpu.enqueue_dma source(%arg2 : memref<16x1024xf32, #tpu.memory_space<hbm>>) target(%arg6 : memref<16x1024xf32, #tpu.memory_space<vmem>>) target_semaphore(%run_scoped3A : memref<!tpu.dma_semaphore, #tpu.memory_space<semaphore_mem>>)
      tpu.wait_dma2 semaphore(%run_scoped3A : memref<!tpu.dma_semaphore, #tpu.memory_space<semaphore_mem>>) src(%arg2 : memref<16x1024xf32, #tpu.memory_space<hbm>>) dst(%arg6 : memref<16x1024xf32, #tpu.memory_space<vmem>>)
      tpu.yield
    }) : () -> ()
    %scan3A = arith.constant 0 : i32
    %scan3A_33 = arith.constant 0 : i32
    %scan3A_34 = arith.constant 32 : i32
    %scan3A_35 = arith.addi %scan3A_33, %scan3A_34 : i32
    %scan3A_36 = arith.constant 1 : i32
    scf.for %scan3A_40 = %scan3A_33 to %scan3A_35 step %scan3A_36  : i32 {
      %mul3A_41 = arith.constant 16 : i32
      %mul3A_42 = arith.muli %scan3A_40, %mul3A_41 : i32
      %add3A_43 = arith.addi %mul3A_32, %mul3A_42 : i32
      %get3A = arith.index_cast %select_n3A : i32 to index
      %get3A_44 = arith.index_cast %add3A_43 : i32 to index
      %get3A_45 = tpu.vector_load %arg6[%get3A, %get3A_44] {strides = array<i32>} : memref<16x1024xf32, #tpu.memory_space<vmem>>, vector<16xf32>,
      %convert_element_type3A = arith.fptosi %get3A_45 : vector<16xf32> to vector<16xi32>
      %jit3A_46 = arith.constant 0 : i32
      %jit3A_47 = arith.constant 999 : i32
      %max3A = vector.broadcast %jit3A_46 : i32 to vector<16xi32>
      %max3A_48 = arith.maxsi %max3A, %convert_element_type3A : vector<16xi32>
      %min3A = vector.broadcast %jit3A_47 : i32 to vector<16xi32>
      %min3A_49 = arith.minsi %min3A, %max3A_48 : vector<16xi32>
      %broadcast_in_dim3A = arith.constant 0 : i32
      %broadcast_in_dim3A_50 = vector.broadcast %broadcast_in_dim3A : i32 to vector<16xi32>
      %gather3A = tpu.vector_load_idx %arg5[%broadcast_in_dim3A_50, %min3A_49] : memref<16x1024xf32, #tpu.memory_space<vmem>>[vector<16xi32>, vector<16xi32>], vector<16xf32>,
      %mul3A_51 = arith.constant 16 : i32
      %mul3A_52 = arith.muli %scan3A_40, %mul3A_51 : i32
      %swap3A = arith.constant 0 : i32
      %swap3A_53 = arith.index_cast %swap3A : i32 to index
      %swap3A_54 = arith.index_cast %mul3A_52 : i32 to index
      %swap3A_55 = tpu.vector_load %arg7[%swap3A_53, %swap3A_54] {strides = array<i32>} : memref<16x512xf32, #tpu.memory_space<vmem>>, vector<16xf32>,
      tpu.vector_store %arg7[%swap3A_53, %swap3A_54], %gather3A {strides = array<i32>} : memref<16x512xf32, #tpu.memory_space<vmem>>, vector<16xf32>,
      %broadcast_in_dim3A_56 = arith.constant 1 : i32
      %broadcast_in_dim3A_57 = vector.broadcast %broadcast_in_dim3A_56 : i32 to vector<16xi32>
      %gather3A_58 = tpu.vector_load_idx %arg5[%broadcast_in_dim3A_57, %min3A_49] : memref<16x1024xf32, #tpu.memory_space<vmem>>[vector<16xi32>, vector<16xi32>], vector<16xf32>,
      %mul3A_59 = arith.constant 16 : i32
      %mul3A_60 = arith.muli %scan3A_40, %mul3A_59 : i32
      %swap3A_61 = arith.constant 1 : i32
      %swap3A_62 = arith.index_cast %swap3A_61 : i32 to index
      %swap3A_63 = arith.index_cast %mul3A_60 : i32 to index
      %swap3A_64 = tpu.vector_load %arg7[%swap3A_62, %swap3A_63] {strides = array<i32>} : memref<16x512xf32, #tpu.memory_space<vmem>>, vector<16xf32>,
      tpu.vector_store %arg7[%swap3A_62, %swap3A_63], %gather3A_58 {strides = array<i32>} : memref<16x512xf32, #tpu.memory_space<vmem>>, vector<16xf32>,
      %broadcast_in_dim3A_65 = arith.constant 2 : i32
      %broadcast_in_dim3A_66 = vector.broadcast %broadcast_in_dim3A_65 : i32 to vector<16xi32>
      %gather3A_67 = tpu.vector_load_idx %arg5[%broadcast_in_dim3A_66, %min3A_49] : memref<16x1024xf32, #tpu.memory_space<vmem>>[vector<16xi32>, vector<16xi32>], vector<16xf32>,
      %mul3A_68 = arith.constant 16 : i32
      %mul3A_69 = arith.muli %scan3A_40, %mul3A_68 : i32
      %swap3A_70 = arith.constant 2 : i32
      %swap3A_71 = arith.index_cast %swap3A_70 : i32 to index
      %swap3A_72 = arith.index_cast %mul3A_69 : i32 to index
      %swap3A_73 = tpu.vector_load %arg7[%swap3A_71, %swap3A_72] {strides = array<i32>} : memref<16x512xf32, #tpu.memory_space<vmem>>, vector<16xf32>,
      tpu.vector_store %arg7[%swap3A_71, %swap3A_72], %gather3A_67 {strides = array<i32>} : memref<16x512xf32, #tpu.memory_space<vmem>>, vector<16xf32>,
      %broadcast_in_dim3A_74 = arith.constant 3 : i32
      %broadcast_in_dim3A_75 = vector.broadcast %broadcast_in_dim3A_74 : i32 to vector<16xi32>
      %gather3A_76 = tpu.vector_load_idx %arg5[%broadcast_in_dim3A_75, %min3A_49] : memref<16x1024xf32, #tpu.memory_space<vmem>>[vector<16xi32>, vector<16xi32>], vector<16xf32>,
      %mul3A_77 = arith.constant 16 : i32
      %mul3A_78 = arith.muli %scan3A_40, %mul3A_77 : i32
      %swap3A_79 = arith.constant 3 : i32
      %swap3A_80 = arith.index_cast %swap3A_79 : i32 to index
      %swap3A_81 = arith.index_cast %mul3A_78 : i32 to index
      %swap3A_82 = tpu.vector_load %arg7[%swap3A_80, %swap3A_81] {strides = array<i32>} : memref<16x512xf32, #tpu.memory_space<vmem>>, vector<16xf32>,
      tpu.vector_store %arg7[%swap3A_80, %swap3A_81], %gather3A_76 {strides = array<i32>} : memref<16x512xf32, #tpu.memory_space<vmem>>, vector<16xf32>,
      %broadcast_in_dim3A_83 = arith.constant 4 : i32
      %broadcast_in_dim3A_84 = vector.broadcast %broadcast_in_dim3A_83 : i32 to vector<16xi32>
      %gather3A_85 = tpu.vector_load_idx %arg5[%broadcast_in_dim3A_84, %min3A_49] : memref<16x1024xf32, #tpu.memory_space<vmem>>[vector<16xi32>, vector<16xi32>], vector<16xf32>,
      %mul3A_86 = arith.constant 16 : i32
      %mul3A_87 = arith.muli %scan3A_40, %mul3A_86 : i32
      %swap3A_88 = arith.constant 4 : i32
      %swap3A_89 = arith.index_cast %swap3A_88 : i32 to index
      %swap3A_90 = arith.index_cast %mul3A_87 : i32 to index
      %swap3A_91 = tpu.vector_load %arg7[%swap3A_89, %swap3A_90] {strides = array<i32>} : memref<16x512xf32, #tpu.memory_space<vmem>>, vector<16xf32>,
      tpu.vector_store %arg7[%swap3A_89, %swap3A_90], %gather3A_85 {strides = array<i32>} : memref<16x512xf32, #tpu.memory_space<vmem>>, vector<16xf32>,
      %broadcast_in_dim3A_92 = arith.constant 5 : i32
      %broadcast_in_dim3A_93 = vector.broadcast %broadcast_in_dim3A_92 : i32 to vector<16xi32>
      %gather3A_94 = tpu.vector_load_idx %arg5[%broadcast_in_dim3A_93, %min3A_49] : memref<16x1024xf32, #tpu.memory_space<vmem>>[vector<16xi32>, vector<16xi32>], vector<16xf32>,
      %mul3A_95 = arith.constant 16 : i32
      %mul3A_96 = arith.muli %scan3A_40, %mul3A_95 : i32
      %swap3A_97 = arith.constant 5 : i32
      %swap3A_98 = arith.index_cast %swap3A_97 : i32 to index
      %swap3A_99 = arith.index_cast %mul3A_96 : i32 to index
      %swap3A_100 = tpu.vector_load %arg7[%swap3A_98, %swap3A_99] {strides = array<i32>} : memref<16x512xf32, #tpu.memory_space<vmem>>, vector<16xf32>,
      tpu.vector_store %arg7[%swap3A_98, %swap3A_99], %gather3A_94 {strides = array<i32>} : memref<16x512xf32, #tpu.memory_space<vmem>>, vector<16xf32>,
      %broadcast_in_dim3A_101 = arith.constant 6 : i32
      %broadcast_in_dim3A_102 = vector.broadcast %broadcast_in_dim3A_101 : i32 to vector<16xi32>
      %gather3A_103 = tpu.vector_load_idx %arg5[%broadcast_in_dim3A_102, %min3A_49] : memref<16x1024xf32, #tpu.memory_space<vmem>>[vector<16xi32>, vector<16xi32>], vector<16xf32>,
      %mul3A_104 = arith.constant 16 : i32
      %mul3A_105 = arith.muli %scan3A_40, %mul3A_104 : i32
      %swap3A_106 = arith.constant 6 : i32
      %swap3A_107 = arith.index_cast %swap3A_106 : i32 to index
      %swap3A_108 = arith.index_cast %mul3A_105 : i32 to index
      %swap3A_109 = tpu.vector_load %arg7[%swap3A_107, %swap3A_108] {strides = array<i32>} : memref<16x512xf32, #tpu.memory_space<vmem>>, vector<16xf32>,
      tpu.vector_store %arg7[%swap3A_107, %swap3A_108], %gather3A_103 {strides = array<i32>} : memref<16x512xf32, #tpu.memory_space<vmem>>, vector<16xf32>,
      %broadcast_in_dim3A_110 = arith.constant 7 : i32
      %broadcast_in_dim3A_111 = vector.broadcast %broadcast_in_dim3A_110 : i32 to vector<16xi32>
      %gather3A_112 = tpu.vector_load_idx %arg5[%broadcast_in_dim3A_111, %min3A_49] : memref<16x1024xf32, #tpu.memory_space<vmem>>[vector<16xi32>, vector<16xi32>], vector<16xf32>,
      %mul3A_113 = arith.constant 16 : i32
      %mul3A_114 = arith.muli %scan3A_40, %mul3A_113 : i32
      %swap3A_115 = arith.constant 7 : i32
      %swap3A_116 = arith.index_cast %swap3A_115 : i32 to index
      %swap3A_117 = arith.index_cast %mul3A_114 : i32 to index
      %swap3A_118 = tpu.vector_load %arg7[%swap3A_116, %swap3A_117] {strides = array<i32>} : memref<16x512xf32, #tpu.memory_space<vmem>>, vector<16xf32>,
      tpu.vector_store %arg7[%swap3A_116, %swap3A_117], %gather3A_112 {strides = array<i32>} : memref<16x512xf32, #tpu.memory_space<vmem>>, vector<16xf32>,
      %broadcast_in_dim3A_119 = arith.constant 8 : i32
      %broadcast_in_dim3A_120 = vector.broadcast %broadcast_in_dim3A_119 : i32 to vector<16xi32>
      %gather3A_121 = tpu.vector_load_idx %arg5[%broadcast_in_dim3A_120, %min3A_49] : memref<16x1024xf32, #tpu.memory_space<vmem>>[vector<16xi32>, vector<16xi32>], vector<16xf32>,
      %mul3A_122 = arith.constant 16 : i32
      %mul3A_123 = arith.muli %scan3A_40, %mul3A_122 : i32
      %swap3A_124 = arith.constant 8 : i32
      %swap3A_125 = arith.index_cast %swap3A_124 : i32 to index
      %swap3A_126 = arith.index_cast %mul3A_123 : i32 to index
      %swap3A_127 = tpu.vector_load %arg7[%swap3A_125, %swap3A_126] {strides = array<i32>} : memref<16x512xf32, #tpu.memory_space<vmem>>, vector<16xf32>,
      tpu.vector_store %arg7[%swap3A_125, %swap3A_126], %gather3A_121 {strides = array<i32>} : memref<16x512xf32, #tpu.memory_space<vmem>>, vector<16xf32>,
      %broadcast_in_dim3A_128 = arith.constant 9 : i32
      %broadcast_in_dim3A_129 = vector.broadcast %broadcast_in_dim3A_128 : i32 to vector<16xi32>
      %gather3A_130 = tpu.vector_load_idx %arg5[%broadcast_in_dim3A_129, %min3A_49] : memref<16x1024xf32, #tpu.memory_space<vmem>>[vector<16xi32>, vector<16xi32>], vector<16xf32>,
      %mul3A_131 = arith.constant 16 : i32
      %mul3A_132 = arith.muli %scan3A_40, %mul3A_131 : i32
      %swap3A_133 = arith.constant 9 : i32
      %swap3A_134 = arith.index_cast %swap3A_133 : i32 to index
      %swap3A_135 = arith.index_cast %mul3A_132 : i32 to index
      %swap3A_136 = tpu.vector_load %arg7[%swap3A_134, %swap3A_135] {strides = array<i32>} : memref<16x512xf32, #tpu.memory_space<vmem>>, vector<16xf32>,
      tpu.vector_store %arg7[%swap3A_134, %swap3A_135], %gather3A_130 {strides = array<i32>} : memref<16x512xf32, #tpu.memory_space<vmem>>, vector<16xf32>,
      %broadcast_in_dim3A_137 = arith.constant 10 : i32
      %broadcast_in_dim3A_138 = vector.broadcast %broadcast_in_dim3A_137 : i32 to vector<16xi32>
      %gather3A_139 = tpu.vector_load_idx %arg5[%broadcast_in_dim3A_138, %min3A_49] : memref<16x1024xf32, #tpu.memory_space<vmem>>[vector<16xi32>, vector<16xi32>], vector<16xf32>,
      %mul3A_140 = arith.constant 16 : i32
      %mul3A_141 = arith.muli %scan3A_40, %mul3A_140 : i32
      %swap3A_142 = arith.constant 10 : i32
      %swap3A_143 = arith.index_cast %swap3A_142 : i32 to index
      %swap3A_144 = arith.index_cast %mul3A_141 : i32 to index
      %swap3A_145 = tpu.vector_load %arg7[%swap3A_143, %swap3A_144] {strides = array<i32>} : memref<16x512xf32, #tpu.memory_space<vmem>>, vector<16xf32>,
      tpu.vector_store %arg7[%swap3A_143, %swap3A_144], %gather3A_139 {strides = array<i32>} : memref<16x512xf32, #tpu.memory_space<vmem>>, vector<16xf32>,
      %broadcast_in_dim3A_146 = arith.constant 11 : i32
      %broadcast_in_dim3A_147 = vector.broadcast %broadcast_in_dim3A_146 : i32 to vector<16xi32>
      %gather3A_148 = tpu.vector_load_idx %arg5[%broadcast_in_dim3A_147, %min3A_49] : memref<16x1024xf32, #tpu.memory_space<vmem>>[vector<16xi32>, vector<16xi32>], vector<16xf32>,
      %mul3A_149 = arith.constant 16 : i32
      %mul3A_150 = arith.muli %scan3A_40, %mul3A_149 : i32
      %swap3A_151 = arith.constant 11 : i32
      %swap3A_152 = arith.index_cast %swap3A_151 : i32 to index
      %swap3A_153 = arith.index_cast %mul3A_150 : i32 to index
      %swap3A_154 = tpu.vector_load %arg7[%swap3A_152, %swap3A_153] {strides = array<i32>} : memref<16x512xf32, #tpu.memory_space<vmem>>, vector<16xf32>,
      tpu.vector_store %arg7[%swap3A_152, %swap3A_153], %gather3A_148 {strides = array<i32>} : memref<16x512xf32, #tpu.memory_space<vmem>>, vector<16xf32>,
      %broadcast_in_dim3A_155 = arith.constant 12 : i32
      %broadcast_in_dim3A_156 = vector.broadcast %broadcast_in_dim3A_155 : i32 to vector<16xi32>
      %gather3A_157 = tpu.vector_load_idx %arg5[%broadcast_in_dim3A_156, %min3A_49] : memref<16x1024xf32, #tpu.memory_space<vmem>>[vector<16xi32>, vector<16xi32>], vector<16xf32>,
      %mul3A_158 = arith.constant 16 : i32
      %mul3A_159 = arith.muli %scan3A_40, %mul3A_158 : i32
      %swap3A_160 = arith.constant 12 : i32
      %swap3A_161 = arith.index_cast %swap3A_160 : i32 to index
      %swap3A_162 = arith.index_cast %mul3A_159 : i32 to index
      %swap3A_163 = tpu.vector_load %arg7[%swap3A_161, %swap3A_162] {strides = array<i32>} : memref<16x512xf32, #tpu.memory_space<vmem>>, vector<16xf32>,
      tpu.vector_store %arg7[%swap3A_161, %swap3A_162], %gather3A_157 {strides = array<i32>} : memref<16x512xf32, #tpu.memory_space<vmem>>, vector<16xf32>,
      %broadcast_in_dim3A_164 = arith.constant 13 : i32
      %broadcast_in_dim3A_165 = vector.broadcast %broadcast_in_dim3A_164 : i32 to vector<16xi32>
      %gather3A_166 = tpu.vector_load_idx %arg5[%broadcast_in_dim3A_165, %min3A_49] : memref<16x1024xf32, #tpu.memory_space<vmem>>[vector<16xi32>, vector<16xi32>], vector<16xf32>,
      %mul3A_167 = arith.constant 16 : i32
      %mul3A_168 = arith.muli %scan3A_40, %mul3A_167 : i32
      %swap3A_169 = arith.constant 13 : i32
      %swap3A_170 = arith.index_cast %swap3A_169 : i32 to index
      %swap3A_171 = arith.index_cast %mul3A_168 : i32 to index
      %swap3A_172 = tpu.vector_load %arg7[%swap3A_170, %swap3A_171] {strides = array<i32>} : memref<16x512xf32, #tpu.memory_space<vmem>>, vector<16xf32>,
      tpu.vector_store %arg7[%swap3A_170, %swap3A_171], %gather3A_166 {strides = array<i32>} : memref<16x512xf32, #tpu.memory_space<vmem>>, vector<16xf32>,
      %broadcast_in_dim3A_173 = arith.constant 14 : i32
      %broadcast_in_dim3A_174 = vector.broadcast %broadcast_in_dim3A_173 : i32 to vector<16xi32>
      %gather3A_175 = tpu.vector_load_idx %arg5[%broadcast_in_dim3A_174, %min3A_49] : memref<16x1024xf32, #tpu.memory_space<vmem>>[vector<16xi32>, vector<16xi32>], vector<16xf32>,
      %mul3A_176 = arith.constant 16 : i32
      %mul3A_177 = arith.muli %scan3A_40, %mul3A_176 : i32
      %swap3A_178 = arith.constant 14 : i32
      %swap3A_179 = arith.index_cast %swap3A_178 : i32 to index
      %swap3A_180 = arith.index_cast %mul3A_177 : i32 to index
      %swap3A_181 = tpu.vector_load %arg7[%swap3A_179, %swap3A_180] {strides = array<i32>} : memref<16x512xf32, #tpu.memory_space<vmem>>, vector<16xf32>,
      tpu.vector_store %arg7[%swap3A_179, %swap3A_180], %gather3A_175 {strides = array<i32>} : memref<16x512xf32, #tpu.memory_space<vmem>>, vector<16xf32>,
      %broadcast_in_dim3A_182 = arith.constant 15 : i32
      %broadcast_in_dim3A_183 = vector.broadcast %broadcast_in_dim3A_182 : i32 to vector<16xi32>
      %gather3A_184 = tpu.vector_load_idx %arg5[%broadcast_in_dim3A_183, %min3A_49] : memref<16x1024xf32, #tpu.memory_space<vmem>>[vector<16xi32>, vector<16xi32>], vector<16xf32>,
      %mul3A_185 = arith.constant 16 : i32
      %mul3A_186 = arith.muli %scan3A_40, %mul3A_185 : i32
      %swap3A_187 = arith.constant 15 : i32
      %swap3A_188 = arith.index_cast %swap3A_187 : i32 to index
      %swap3A_189 = arith.index_cast %mul3A_186 : i32 to index
      %swap3A_190 = tpu.vector_load %arg7[%swap3A_188, %swap3A_189] {strides = array<i32>} : memref<16x512xf32, #tpu.memory_space<vmem>>, vector<16xf32>,
      tpu.vector_store %arg7[%swap3A_188, %swap3A_189], %gather3A_184 {strides = array<i32>} : memref<16x512xf32, #tpu.memory_space<vmem>>, vector<16xf32>,
    }
    %scan3A_37 = arith.constant 32 : i32
    %mul3A_38 = arith.constant 512 : i32
    %mul3A_39 = arith.muli %add3A, %mul3A_38 : i32
    "tpu.region"() ({
      %run_scoped3A = tpu.sem_alloc : memref<!tpu.dma_semaphore, #tpu.memory_space<semaphore_mem>>
      %dma_start3A = arith.constant 0 : i32
      %dma_start3A_40 = tpu.memref_slice %arg4[%dma_start3A, %mul3A_39] : memref<16x16384xf32, #tpu.memory_space<hbm>> -> memref<16x512xf32, #tpu.memory_space<hbm>>
      %dma_start3A_41 = arith.constant 0 : i32
      %dma_start3A_42 = tpu.memref_slice %arg4[%dma_start3A_41, %mul3A_39] : memref<16x16384xf32, #tpu.memory_space<hbm>> -> memref<16x512xf32, #tpu.memory_space<hbm>>
      tpu.enqueue_dma source(%arg7 : memref<16x512xf32, #tpu.memory_space<vmem>>) target(%dma_start3A_42 : memref<16x512xf32, #tpu.memory_space<hbm>>) target_semaphore(%run_scoped3A : memref<!tpu.dma_semaphore, #tpu.memory_space<semaphore_mem>>)
      %dma_wait3A = arith.constant 0 : i32
      %dma_wait3A_43 = tpu.memref_slice %arg4[%dma_wait3A, %mul3A_39] : memref<16x16384xf32, #tpu.memory_space<hbm>> -> memref<16x512xf32, #tpu.memory_space<hbm>>
      %dma_wait3A_44 = arith.constant 0 : i32
      %dma_wait3A_45 = tpu.memref_slice %arg4[%dma_wait3A_44, %mul3A_39] : memref<16x16384xf32, #tpu.memory_space<hbm>> -> memref<16x512xf32, #tpu.memory_space<hbm>>
      tpu.wait_dma2 semaphore(%run_scoped3A : memref<!tpu.dma_semaphore, #tpu.memory_space<semaphore_mem>>) src(%arg7 : memref<16x512xf32, #tpu.memory_space<vmem>>) dst(%dma_wait3A_45 : memref<16x512xf32, #tpu.memory_space<hbm>>)
      tpu.yield
    }) : () -> ()
    return
  }
}

module attributes {stable_mosaic.version = 14 : i64} {
  func.func @_tc_cell_body(%arg0: i32, %arg1: memref<89x16x1000xf32, #tpu.memory_space<vmem>>, %arg2: memref<1x16x89xf32, #tpu.memory_space<vmem>>, %arg3: memref<16x16384xf32, #tpu.memory_space<vmem>>) attributes {dimension_semantics = [#tpu.dimension_semantics<arbitrary>], iteration_bounds = array<i64: 11>, scalar_prefetch = 0 : i64, scratch_operands = 0 : i64, tpu.core_type = #tpu.core_type<tc>, window_params = [{transform_indices = @transform_0, window_bounds = array<i64: 89, 16, 1000>}, {transform_indices = @transform_1, window_bounds = array<i64: 1, 16, 89>}, {pipeline_mode = #tpu.pipeline_mode<synchronous>, transform_indices = @transform_2, window_bounds = array<i64: 16, 16384>}]} {
    %eq3A = arith.constant 0 : i32
    %eq3A_0 = arith.cmpi eq, %arg0, %eq3A : i32
    %convert_element_type3A = arith.extui %eq3A_0 : i1 to i32
    %cond3A = arith.constant 0 : i32
    %cond3A_1 = arith.cmpi ne, %convert_element_type3A, %cond3A : i32
    scf.if %cond3A_1 {
      %broadcast_in_dim3A = arith.constant 0.000000e+00 : f32
      %broadcast_in_dim3A_227 = vector.broadcast %broadcast_in_dim3A : f32 to vector<16x16384xf32>
      %swap3A_228 = arith.constant 0 : index
      %swap3A_229 = arith.constant 0 : index
      %swap3A_230 = vector.load %arg3[%swap3A_228, %swap3A_229] : memref<16x16384xf32, #tpu.memory_space<vmem>>, vector<16x16384xf32>
      tpu.vector_store %arg3[%swap3A_228, %swap3A_229], %broadcast_in_dim3A_227 {strides = array<i32>} : memref<16x16384xf32, #tpu.memory_space<vmem>>, vector<16x16384xf32>,
    } else {
    }
    %get3A = arith.constant 0 : index
    %get3A_2 = arith.constant 0 : index
    %get3A_3 = arith.constant 0 : index
    %get3A_4 = vector.load %arg2[%get3A, %get3A_2, %get3A_3] : memref<1x16x89xf32, #tpu.memory_space<vmem>>, vector<1x16x89xf32>
    %get3A_5 = vector.shape_cast %get3A_4 : vector<1x16x89xf32> to vector<16x89xf32>
    %get3A_6 = arith.constant 0 : index
    %get3A_7 = arith.constant 0 : index
    %get3A_8 = arith.constant 0 : index
    %get3A_9 = vector.load %arg1[%get3A_6, %get3A_7, %get3A_8] : memref<89x16x1000xf32, #tpu.memory_space<vmem>>, vector<89x1x1000xf32>
    %get3A_10 = vector.shape_cast %get3A_9 : vector<89x1x1000xf32> to vector<89x1000xf32>
    %dot_general3A = arith.constant dense<0.000000e+00> : vector<16x1000xf32>
    %dot_general3A_11 = tpu.matmul %get3A_5, %get3A_10, %dot_general3A {dimension_numbers = #tpu.dot_dimension_numbers<[1], [0], [0], [1], [0, 0, 1, 1], [], []>, transpose_lhs_hint = false} : vector<16x89xf32>, vector<89x1000xf32>, vector<16x1000xf32> -> vector<16x1000xf32>
    %get3A_12 = arith.constant 0 : index
    %get3A_13 = arith.constant 0 : index
    %get3A_14 = vector.load %arg3[%get3A_12, %get3A_13] : memref<16x16384xf32, #tpu.memory_space<vmem>>, vector<16x1000xf32>
    %add3A = arith.addf %get3A_14, %dot_general3A_11 : vector<16x1000xf32>
    %swap3A = arith.constant 0 : index
    %swap3A_15 = arith.constant 0 : index
    %swap3A_16 = vector.load %arg3[%swap3A, %swap3A_15] : memref<16x16384xf32, #tpu.memory_space<vmem>>, vector<16x1000xf32>
    tpu.vector_store %arg3[%swap3A, %swap3A_15], %add3A {strides = array<i32>} : memref<16x16384xf32, #tpu.memory_space<vmem>>, vector<16x1000xf32>,
    %get3A_17 = arith.constant 0 : index
    %get3A_18 = arith.constant 1 : index
    %get3A_19 = arith.constant 0 : index
    %get3A_20 = vector.load %arg1[%get3A_17, %get3A_18, %get3A_19] : memref<89x16x1000xf32, #tpu.memory_space<vmem>>, vector<89x1x1000xf32>
    %get3A_21 = vector.shape_cast %get3A_20 : vector<89x1x1000xf32> to vector<89x1000xf32>
    %dot_general3A_22 = arith.constant dense<0.000000e+00> : vector<16x1000xf32>
    %dot_general3A_23 = tpu.matmul %get3A_5, %get3A_21, %dot_general3A_22 {dimension_numbers = #tpu.dot_dimension_numbers<[1], [0], [0], [1], [0, 0, 1, 1], [], []>, transpose_lhs_hint = false} : vector<16x89xf32>, vector<89x1000xf32>, vector<16x1000xf32> -> vector<16x1000xf32>
    %get3A_24 = arith.constant 0 : index
    %get3A_25 = arith.constant 1024 : index
    %get3A_26 = vector.load %arg3[%get3A_24, %get3A_25] : memref<16x16384xf32, #tpu.memory_space<vmem>>, vector<16x1000xf32>
    %add3A_27 = arith.addf %get3A_26, %dot_general3A_23 : vector<16x1000xf32>
    %swap3A_28 = arith.constant 0 : index
    %swap3A_29 = arith.constant 1024 : index
    %swap3A_30 = vector.load %arg3[%swap3A_28, %swap3A_29] : memref<16x16384xf32, #tpu.memory_space<vmem>>, vector<16x1000xf32>
    tpu.vector_store %arg3[%swap3A_28, %swap3A_29], %add3A_27 {strides = array<i32>} : memref<16x16384xf32, #tpu.memory_space<vmem>>, vector<16x1000xf32>,
    %get3A_31 = arith.constant 0 : index
    %get3A_32 = arith.constant 2 : index
    %get3A_33 = arith.constant 0 : index
    %get3A_34 = vector.load %arg1[%get3A_31, %get3A_32, %get3A_33] : memref<89x16x1000xf32, #tpu.memory_space<vmem>>, vector<89x1x1000xf32>
    %get3A_35 = vector.shape_cast %get3A_34 : vector<89x1x1000xf32> to vector<89x1000xf32>
    %dot_general3A_36 = arith.constant dense<0.000000e+00> : vector<16x1000xf32>
    %dot_general3A_37 = tpu.matmul %get3A_5, %get3A_35, %dot_general3A_36 {dimension_numbers = #tpu.dot_dimension_numbers<[1], [0], [0], [1], [0, 0, 1, 1], [], []>, transpose_lhs_hint = false} : vector<16x89xf32>, vector<89x1000xf32>, vector<16x1000xf32> -> vector<16x1000xf32>
    %get3A_38 = arith.constant 0 : index
    %get3A_39 = arith.constant 2048 : index
    %get3A_40 = vector.load %arg3[%get3A_38, %get3A_39] : memref<16x16384xf32, #tpu.memory_space<vmem>>, vector<16x1000xf32>
    %add3A_41 = arith.addf %get3A_40, %dot_general3A_37 : vector<16x1000xf32>
    %swap3A_42 = arith.constant 0 : index
    %swap3A_43 = arith.constant 2048 : index
    %swap3A_44 = vector.load %arg3[%swap3A_42, %swap3A_43] : memref<16x16384xf32, #tpu.memory_space<vmem>>, vector<16x1000xf32>
    tpu.vector_store %arg3[%swap3A_42, %swap3A_43], %add3A_41 {strides = array<i32>} : memref<16x16384xf32, #tpu.memory_space<vmem>>, vector<16x1000xf32>,
    %get3A_45 = arith.constant 0 : index
    %get3A_46 = arith.constant 3 : index
    %get3A_47 = arith.constant 0 : index
    %get3A_48 = vector.load %arg1[%get3A_45, %get3A_46, %get3A_47] : memref<89x16x1000xf32, #tpu.memory_space<vmem>>, vector<89x1x1000xf32>
    %get3A_49 = vector.shape_cast %get3A_48 : vector<89x1x1000xf32> to vector<89x1000xf32>
    %dot_general3A_50 = arith.constant dense<0.000000e+00> : vector<16x1000xf32>
    %dot_general3A_51 = tpu.matmul %get3A_5, %get3A_49, %dot_general3A_50 {dimension_numbers = #tpu.dot_dimension_numbers<[1], [0], [0], [1], [0, 0, 1, 1], [], []>, transpose_lhs_hint = false} : vector<16x89xf32>, vector<89x1000xf32>, vector<16x1000xf32> -> vector<16x1000xf32>
    %get3A_52 = arith.constant 0 : index
    %get3A_53 = arith.constant 3072 : index
    %get3A_54 = vector.load %arg3[%get3A_52, %get3A_53] : memref<16x16384xf32, #tpu.memory_space<vmem>>, vector<16x1000xf32>
    %add3A_55 = arith.addf %get3A_54, %dot_general3A_51 : vector<16x1000xf32>
    %swap3A_56 = arith.constant 0 : index
    %swap3A_57 = arith.constant 3072 : index
    %swap3A_58 = vector.load %arg3[%swap3A_56, %swap3A_57] : memref<16x16384xf32, #tpu.memory_space<vmem>>, vector<16x1000xf32>
    tpu.vector_store %arg3[%swap3A_56, %swap3A_57], %add3A_55 {strides = array<i32>} : memref<16x16384xf32, #tpu.memory_space<vmem>>, vector<16x1000xf32>,
    %get3A_59 = arith.constant 0 : index
    %get3A_60 = arith.constant 4 : index
    %get3A_61 = arith.constant 0 : index
    %get3A_62 = vector.load %arg1[%get3A_59, %get3A_60, %get3A_61] : memref<89x16x1000xf32, #tpu.memory_space<vmem>>, vector<89x1x1000xf32>
    %get3A_63 = vector.shape_cast %get3A_62 : vector<89x1x1000xf32> to vector<89x1000xf32>
    %dot_general3A_64 = arith.constant dense<0.000000e+00> : vector<16x1000xf32>
    %dot_general3A_65 = tpu.matmul %get3A_5, %get3A_63, %dot_general3A_64 {dimension_numbers = #tpu.dot_dimension_numbers<[1], [0], [0], [1], [0, 0, 1, 1], [], []>, transpose_lhs_hint = false} : vector<16x89xf32>, vector<89x1000xf32>, vector<16x1000xf32> -> vector<16x1000xf32>
    %get3A_66 = arith.constant 0 : index
    %get3A_67 = arith.constant 4096 : index
    %get3A_68 = vector.load %arg3[%get3A_66, %get3A_67] : memref<16x16384xf32, #tpu.memory_space<vmem>>, vector<16x1000xf32>
    %add3A_69 = arith.addf %get3A_68, %dot_general3A_65 : vector<16x1000xf32>
    %swap3A_70 = arith.constant 0 : index
    %swap3A_71 = arith.constant 4096 : index
    %swap3A_72 = vector.load %arg3[%swap3A_70, %swap3A_71] : memref<16x16384xf32, #tpu.memory_space<vmem>>, vector<16x1000xf32>
    tpu.vector_store %arg3[%swap3A_70, %swap3A_71], %add3A_69 {strides = array<i32>} : memref<16x16384xf32, #tpu.memory_space<vmem>>, vector<16x1000xf32>,
    %get3A_73 = arith.constant 0 : index
    %get3A_74 = arith.constant 5 : index
    %get3A_75 = arith.constant 0 : index
    %get3A_76 = vector.load %arg1[%get3A_73, %get3A_74, %get3A_75] : memref<89x16x1000xf32, #tpu.memory_space<vmem>>, vector<89x1x1000xf32>
    %get3A_77 = vector.shape_cast %get3A_76 : vector<89x1x1000xf32> to vector<89x1000xf32>
    %dot_general3A_78 = arith.constant dense<0.000000e+00> : vector<16x1000xf32>
    %dot_general3A_79 = tpu.matmul %get3A_5, %get3A_77, %dot_general3A_78 {dimension_numbers = #tpu.dot_dimension_numbers<[1], [0], [0], [1], [0, 0, 1, 1], [], []>, transpose_lhs_hint = false} : vector<16x89xf32>, vector<89x1000xf32>, vector<16x1000xf32> -> vector<16x1000xf32>
    %get3A_80 = arith.constant 0 : index
    %get3A_81 = arith.constant 5120 : index
    %get3A_82 = vector.load %arg3[%get3A_80, %get3A_81] : memref<16x16384xf32, #tpu.memory_space<vmem>>, vector<16x1000xf32>
    %add3A_83 = arith.addf %get3A_82, %dot_general3A_79 : vector<16x1000xf32>
    %swap3A_84 = arith.constant 0 : index
    %swap3A_85 = arith.constant 5120 : index
    %swap3A_86 = vector.load %arg3[%swap3A_84, %swap3A_85] : memref<16x16384xf32, #tpu.memory_space<vmem>>, vector<16x1000xf32>
    tpu.vector_store %arg3[%swap3A_84, %swap3A_85], %add3A_83 {strides = array<i32>} : memref<16x16384xf32, #tpu.memory_space<vmem>>, vector<16x1000xf32>,
    %get3A_87 = arith.constant 0 : index
    %get3A_88 = arith.constant 6 : index
    %get3A_89 = arith.constant 0 : index
    %get3A_90 = vector.load %arg1[%get3A_87, %get3A_88, %get3A_89] : memref<89x16x1000xf32, #tpu.memory_space<vmem>>, vector<89x1x1000xf32>
    %get3A_91 = vector.shape_cast %get3A_90 : vector<89x1x1000xf32> to vector<89x1000xf32>
    %dot_general3A_92 = arith.constant dense<0.000000e+00> : vector<16x1000xf32>
    %dot_general3A_93 = tpu.matmul %get3A_5, %get3A_91, %dot_general3A_92 {dimension_numbers = #tpu.dot_dimension_numbers<[1], [0], [0], [1], [0, 0, 1, 1], [], []>, transpose_lhs_hint = false} : vector<16x89xf32>, vector<89x1000xf32>, vector<16x1000xf32> -> vector<16x1000xf32>
    %get3A_94 = arith.constant 0 : index
    %get3A_95 = arith.constant 6144 : index
    %get3A_96 = vector.load %arg3[%get3A_94, %get3A_95] : memref<16x16384xf32, #tpu.memory_space<vmem>>, vector<16x1000xf32>
    %add3A_97 = arith.addf %get3A_96, %dot_general3A_93 : vector<16x1000xf32>
    %swap3A_98 = arith.constant 0 : index
    %swap3A_99 = arith.constant 6144 : index
    %swap3A_100 = vector.load %arg3[%swap3A_98, %swap3A_99] : memref<16x16384xf32, #tpu.memory_space<vmem>>, vector<16x1000xf32>
    tpu.vector_store %arg3[%swap3A_98, %swap3A_99], %add3A_97 {strides = array<i32>} : memref<16x16384xf32, #tpu.memory_space<vmem>>, vector<16x1000xf32>,
    %get3A_101 = arith.constant 0 : index
    %get3A_102 = arith.constant 7 : index
    %get3A_103 = arith.constant 0 : index
    %get3A_104 = vector.load %arg1[%get3A_101, %get3A_102, %get3A_103] : memref<89x16x1000xf32, #tpu.memory_space<vmem>>, vector<89x1x1000xf32>
    %get3A_105 = vector.shape_cast %get3A_104 : vector<89x1x1000xf32> to vector<89x1000xf32>
    %dot_general3A_106 = arith.constant dense<0.000000e+00> : vector<16x1000xf32>
    %dot_general3A_107 = tpu.matmul %get3A_5, %get3A_105, %dot_general3A_106 {dimension_numbers = #tpu.dot_dimension_numbers<[1], [0], [0], [1], [0, 0, 1, 1], [], []>, transpose_lhs_hint = false} : vector<16x89xf32>, vector<89x1000xf32>, vector<16x1000xf32> -> vector<16x1000xf32>
    %get3A_108 = arith.constant 0 : index
    %get3A_109 = arith.constant 7168 : index
    %get3A_110 = vector.load %arg3[%get3A_108, %get3A_109] : memref<16x16384xf32, #tpu.memory_space<vmem>>, vector<16x1000xf32>
    %add3A_111 = arith.addf %get3A_110, %dot_general3A_107 : vector<16x1000xf32>
    %swap3A_112 = arith.constant 0 : index
    %swap3A_113 = arith.constant 7168 : index
    %swap3A_114 = vector.load %arg3[%swap3A_112, %swap3A_113] : memref<16x16384xf32, #tpu.memory_space<vmem>>, vector<16x1000xf32>
    tpu.vector_store %arg3[%swap3A_112, %swap3A_113], %add3A_111 {strides = array<i32>} : memref<16x16384xf32, #tpu.memory_space<vmem>>, vector<16x1000xf32>,
    %get3A_115 = arith.constant 0 : index
    %get3A_116 = arith.constant 8 : index
    %get3A_117 = arith.constant 0 : index
    %get3A_118 = vector.load %arg1[%get3A_115, %get3A_116, %get3A_117] : memref<89x16x1000xf32, #tpu.memory_space<vmem>>, vector<89x1x1000xf32>
    %get3A_119 = vector.shape_cast %get3A_118 : vector<89x1x1000xf32> to vector<89x1000xf32>
    %dot_general3A_120 = arith.constant dense<0.000000e+00> : vector<16x1000xf32>
    %dot_general3A_121 = tpu.matmul %get3A_5, %get3A_119, %dot_general3A_120 {dimension_numbers = #tpu.dot_dimension_numbers<[1], [0], [0], [1], [0, 0, 1, 1], [], []>, transpose_lhs_hint = false} : vector<16x89xf32>, vector<89x1000xf32>, vector<16x1000xf32> -> vector<16x1000xf32>
    %get3A_122 = arith.constant 0 : index
    %get3A_123 = arith.constant 8192 : index
    %get3A_124 = vector.load %arg3[%get3A_122, %get3A_123] : memref<16x16384xf32, #tpu.memory_space<vmem>>, vector<16x1000xf32>
    %add3A_125 = arith.addf %get3A_124, %dot_general3A_121 : vector<16x1000xf32>
    %swap3A_126 = arith.constant 0 : index
    %swap3A_127 = arith.constant 8192 : index
    %swap3A_128 = vector.load %arg3[%swap3A_126, %swap3A_127] : memref<16x16384xf32, #tpu.memory_space<vmem>>, vector<16x1000xf32>
    tpu.vector_store %arg3[%swap3A_126, %swap3A_127], %add3A_125 {strides = array<i32>} : memref<16x16384xf32, #tpu.memory_space<vmem>>, vector<16x1000xf32>,
    %get3A_129 = arith.constant 0 : index
    %get3A_130 = arith.constant 9 : index
    %get3A_131 = arith.constant 0 : index
    %get3A_132 = vector.load %arg1[%get3A_129, %get3A_130, %get3A_131] : memref<89x16x1000xf32, #tpu.memory_space<vmem>>, vector<89x1x1000xf32>
    %get3A_133 = vector.shape_cast %get3A_132 : vector<89x1x1000xf32> to vector<89x1000xf32>
    %dot_general3A_134 = arith.constant dense<0.000000e+00> : vector<16x1000xf32>
    %dot_general3A_135 = tpu.matmul %get3A_5, %get3A_133, %dot_general3A_134 {dimension_numbers = #tpu.dot_dimension_numbers<[1], [0], [0], [1], [0, 0, 1, 1], [], []>, transpose_lhs_hint = false} : vector<16x89xf32>, vector<89x1000xf32>, vector<16x1000xf32> -> vector<16x1000xf32>
    %get3A_136 = arith.constant 0 : index
    %get3A_137 = arith.constant 9216 : index
    %get3A_138 = vector.load %arg3[%get3A_136, %get3A_137] : memref<16x16384xf32, #tpu.memory_space<vmem>>, vector<16x1000xf32>
    %add3A_139 = arith.addf %get3A_138, %dot_general3A_135 : vector<16x1000xf32>
    %swap3A_140 = arith.constant 0 : index
    %swap3A_141 = arith.constant 9216 : index
    %swap3A_142 = vector.load %arg3[%swap3A_140, %swap3A_141] : memref<16x16384xf32, #tpu.memory_space<vmem>>, vector<16x1000xf32>
    tpu.vector_store %arg3[%swap3A_140, %swap3A_141], %add3A_139 {strides = array<i32>} : memref<16x16384xf32, #tpu.memory_space<vmem>>, vector<16x1000xf32>,
    %get3A_143 = arith.constant 0 : index
    %get3A_144 = arith.constant 10 : index
    %get3A_145 = arith.constant 0 : index
    %get3A_146 = vector.load %arg1[%get3A_143, %get3A_144, %get3A_145] : memref<89x16x1000xf32, #tpu.memory_space<vmem>>, vector<89x1x1000xf32>
    %get3A_147 = vector.shape_cast %get3A_146 : vector<89x1x1000xf32> to vector<89x1000xf32>
    %dot_general3A_148 = arith.constant dense<0.000000e+00> : vector<16x1000xf32>
    %dot_general3A_149 = tpu.matmul %get3A_5, %get3A_147, %dot_general3A_148 {dimension_numbers = #tpu.dot_dimension_numbers<[1], [0], [0], [1], [0, 0, 1, 1], [], []>, transpose_lhs_hint = false} : vector<16x89xf32>, vector<89x1000xf32>, vector<16x1000xf32> -> vector<16x1000xf32>
    %get3A_150 = arith.constant 0 : index
    %get3A_151 = arith.constant 10240 : index
    %get3A_152 = vector.load %arg3[%get3A_150, %get3A_151] : memref<16x16384xf32, #tpu.memory_space<vmem>>, vector<16x1000xf32>
    %add3A_153 = arith.addf %get3A_152, %dot_general3A_149 : vector<16x1000xf32>
    %swap3A_154 = arith.constant 0 : index
    %swap3A_155 = arith.constant 10240 : index
    %swap3A_156 = vector.load %arg3[%swap3A_154, %swap3A_155] : memref<16x16384xf32, #tpu.memory_space<vmem>>, vector<16x1000xf32>
    tpu.vector_store %arg3[%swap3A_154, %swap3A_155], %add3A_153 {strides = array<i32>} : memref<16x16384xf32, #tpu.memory_space<vmem>>, vector<16x1000xf32>,
    %get3A_157 = arith.constant 0 : index
    %get3A_158 = arith.constant 11 : index
    %get3A_159 = arith.constant 0 : index
    %get3A_160 = vector.load %arg1[%get3A_157, %get3A_158, %get3A_159] : memref<89x16x1000xf32, #tpu.memory_space<vmem>>, vector<89x1x1000xf32>
    %get3A_161 = vector.shape_cast %get3A_160 : vector<89x1x1000xf32> to vector<89x1000xf32>
    %dot_general3A_162 = arith.constant dense<0.000000e+00> : vector<16x1000xf32>
    %dot_general3A_163 = tpu.matmul %get3A_5, %get3A_161, %dot_general3A_162 {dimension_numbers = #tpu.dot_dimension_numbers<[1], [0], [0], [1], [0, 0, 1, 1], [], []>, transpose_lhs_hint = false} : vector<16x89xf32>, vector<89x1000xf32>, vector<16x1000xf32> -> vector<16x1000xf32>
    %get3A_164 = arith.constant 0 : index
    %get3A_165 = arith.constant 11264 : index
    %get3A_166 = vector.load %arg3[%get3A_164, %get3A_165] : memref<16x16384xf32, #tpu.memory_space<vmem>>, vector<16x1000xf32>
    %add3A_167 = arith.addf %get3A_166, %dot_general3A_163 : vector<16x1000xf32>
    %swap3A_168 = arith.constant 0 : index
    %swap3A_169 = arith.constant 11264 : index
    %swap3A_170 = vector.load %arg3[%swap3A_168, %swap3A_169] : memref<16x16384xf32, #tpu.memory_space<vmem>>, vector<16x1000xf32>
    tpu.vector_store %arg3[%swap3A_168, %swap3A_169], %add3A_167 {strides = array<i32>} : memref<16x16384xf32, #tpu.memory_space<vmem>>, vector<16x1000xf32>,
    %get3A_171 = arith.constant 0 : index
    %get3A_172 = arith.constant 12 : index
    %get3A_173 = arith.constant 0 : index
    %get3A_174 = vector.load %arg1[%get3A_171, %get3A_172, %get3A_173] : memref<89x16x1000xf32, #tpu.memory_space<vmem>>, vector<89x1x1000xf32>
    %get3A_175 = vector.shape_cast %get3A_174 : vector<89x1x1000xf32> to vector<89x1000xf32>
    %dot_general3A_176 = arith.constant dense<0.000000e+00> : vector<16x1000xf32>
    %dot_general3A_177 = tpu.matmul %get3A_5, %get3A_175, %dot_general3A_176 {dimension_numbers = #tpu.dot_dimension_numbers<[1], [0], [0], [1], [0, 0, 1, 1], [], []>, transpose_lhs_hint = false} : vector<16x89xf32>, vector<89x1000xf32>, vector<16x1000xf32> -> vector<16x1000xf32>
    %get3A_178 = arith.constant 0 : index
    %get3A_179 = arith.constant 12288 : index
    %get3A_180 = vector.load %arg3[%get3A_178, %get3A_179] : memref<16x16384xf32, #tpu.memory_space<vmem>>, vector<16x1000xf32>
    %add3A_181 = arith.addf %get3A_180, %dot_general3A_177 : vector<16x1000xf32>
    %swap3A_182 = arith.constant 0 : index
    %swap3A_183 = arith.constant 12288 : index
    %swap3A_184 = vector.load %arg3[%swap3A_182, %swap3A_183] : memref<16x16384xf32, #tpu.memory_space<vmem>>, vector<16x1000xf32>
    tpu.vector_store %arg3[%swap3A_182, %swap3A_183], %add3A_181 {strides = array<i32>} : memref<16x16384xf32, #tpu.memory_space<vmem>>, vector<16x1000xf32>,
    %get3A_185 = arith.constant 0 : index
    %get3A_186 = arith.constant 13 : index
    %get3A_187 = arith.constant 0 : index
    %get3A_188 = vector.load %arg1[%get3A_185, %get3A_186, %get3A_187] : memref<89x16x1000xf32, #tpu.memory_space<vmem>>, vector<89x1x1000xf32>
    %get3A_189 = vector.shape_cast %get3A_188 : vector<89x1x1000xf32> to vector<89x1000xf32>
    %dot_general3A_190 = arith.constant dense<0.000000e+00> : vector<16x1000xf32>
    %dot_general3A_191 = tpu.matmul %get3A_5, %get3A_189, %dot_general3A_190 {dimension_numbers = #tpu.dot_dimension_numbers<[1], [0], [0], [1], [0, 0, 1, 1], [], []>, transpose_lhs_hint = false} : vector<16x89xf32>, vector<89x1000xf32>, vector<16x1000xf32> -> vector<16x1000xf32>
    %get3A_192 = arith.constant 0 : index
    %get3A_193 = arith.constant 13312 : index
    %get3A_194 = vector.load %arg3[%get3A_192, %get3A_193] : memref<16x16384xf32, #tpu.memory_space<vmem>>, vector<16x1000xf32>
    %add3A_195 = arith.addf %get3A_194, %dot_general3A_191 : vector<16x1000xf32>
    %swap3A_196 = arith.constant 0 : index
    %swap3A_197 = arith.constant 13312 : index
    %swap3A_198 = vector.load %arg3[%swap3A_196, %swap3A_197] : memref<16x16384xf32, #tpu.memory_space<vmem>>, vector<16x1000xf32>
    tpu.vector_store %arg3[%swap3A_196, %swap3A_197], %add3A_195 {strides = array<i32>} : memref<16x16384xf32, #tpu.memory_space<vmem>>, vector<16x1000xf32>,
    %get3A_199 = arith.constant 0 : index
    %get3A_200 = arith.constant 14 : index
    %get3A_201 = arith.constant 0 : index
    %get3A_202 = vector.load %arg1[%get3A_199, %get3A_200, %get3A_201] : memref<89x16x1000xf32, #tpu.memory_space<vmem>>, vector<89x1x1000xf32>
    %get3A_203 = vector.shape_cast %get3A_202 : vector<89x1x1000xf32> to vector<89x1000xf32>
    %dot_general3A_204 = arith.constant dense<0.000000e+00> : vector<16x1000xf32>
    %dot_general3A_205 = tpu.matmul %get3A_5, %get3A_203, %dot_general3A_204 {dimension_numbers = #tpu.dot_dimension_numbers<[1], [0], [0], [1], [0, 0, 1, 1], [], []>, transpose_lhs_hint = false} : vector<16x89xf32>, vector<89x1000xf32>, vector<16x1000xf32> -> vector<16x1000xf32>
    %get3A_206 = arith.constant 0 : index
    %get3A_207 = arith.constant 14336 : index
    %get3A_208 = vector.load %arg3[%get3A_206, %get3A_207] : memref<16x16384xf32, #tpu.memory_space<vmem>>, vector<16x1000xf32>
    %add3A_209 = arith.addf %get3A_208, %dot_general3A_205 : vector<16x1000xf32>
    %swap3A_210 = arith.constant 0 : index
    %swap3A_211 = arith.constant 14336 : index
    %swap3A_212 = vector.load %arg3[%swap3A_210, %swap3A_211] : memref<16x16384xf32, #tpu.memory_space<vmem>>, vector<16x1000xf32>
    tpu.vector_store %arg3[%swap3A_210, %swap3A_211], %add3A_209 {strides = array<i32>} : memref<16x16384xf32, #tpu.memory_space<vmem>>, vector<16x1000xf32>,
    %get3A_213 = arith.constant 0 : index
    %get3A_214 = arith.constant 15 : index
    %get3A_215 = arith.constant 0 : index
    %get3A_216 = vector.load %arg1[%get3A_213, %get3A_214, %get3A_215] : memref<89x16x1000xf32, #tpu.memory_space<vmem>>, vector<89x1x1000xf32>
    %get3A_217 = vector.shape_cast %get3A_216 : vector<89x1x1000xf32> to vector<89x1000xf32>
    %dot_general3A_218 = arith.constant dense<0.000000e+00> : vector<16x1000xf32>
    %dot_general3A_219 = tpu.matmul %get3A_5, %get3A_217, %dot_general3A_218 {dimension_numbers = #tpu.dot_dimension_numbers<[1], [0], [0], [1], [0, 0, 1, 1], [], []>, transpose_lhs_hint = false} : vector<16x89xf32>, vector<89x1000xf32>, vector<16x1000xf32> -> vector<16x1000xf32>
    %get3A_220 = arith.constant 0 : index
    %get3A_221 = arith.constant 15360 : index
    %get3A_222 = vector.load %arg3[%get3A_220, %get3A_221] : memref<16x16384xf32, #tpu.memory_space<vmem>>, vector<16x1000xf32>
    %add3A_223 = arith.addf %get3A_222, %dot_general3A_219 : vector<16x1000xf32>
    %swap3A_224 = arith.constant 0 : index
    %swap3A_225 = arith.constant 15360 : index
    %swap3A_226 = vector.load %arg3[%swap3A_224, %swap3A_225] : memref<16x16384xf32, #tpu.memory_space<vmem>>, vector<16x1000xf32>
    tpu.vector_store %arg3[%swap3A_224, %swap3A_225], %add3A_223 {strides = array<i32>} : memref<16x16384xf32, #tpu.memory_space<vmem>>, vector<16x1000xf32>,
    return
  }
  func.func @transform_0(%arg0: i32) -> (i32, i32, i32) {
    %c0_i32 = arith.constant 0 : i32
    %c0_i32_0 = arith.constant 0 : i32
    %c0_i32_1 = arith.constant 0 : i32
    return %arg0, %c0_i32, %c0_i32_0 : i32, i32, i32
  }
  func.func @transform_1(%arg0: i32) -> (i32, i32, i32) {
    %c0_i32 = arith.constant 0 : i32
    %c0_i32_0 = arith.constant 0 : i32
    %c0_i32_1 = arith.constant 0 : i32
    return %arg0, %c0_i32, %c0_i32_0 : i32, i32, i32
  }
  func.func @transform_2(%arg0: i32) -> (i32, i32) {
    %c0_i32 = arith.constant 0 : i32
    %c0_i32_0 = arith.constant 0 : i32
    %c0_i32_1 = arith.constant 0 : i32
    return %c0_i32, %c0_i32_0 : i32, i32
  }
}

module attributes {stable_mosaic.version = 14 : i64} {
  func.func @_tc_combine_body(%arg0: memref<16x16384xf32, #tpu.memory_space<vmem>>, %arg1: memref<16x16384xf32, #tpu.memory_space<vmem>>, %arg2: memref<16x1xf32, #tpu.memory_space<vmem>>, %arg3: memref<16x1024xf32, #tpu.memory_space<vmem>>) attributes {dimension_semantics = [], scalar_prefetch = 0 : i64, scratch_operands = 0 : i64, tpu.core_type = #tpu.core_type<tc>} {
    %get3A = arith.constant 0 : index
    %get3A_0 = arith.constant 0 : index
    %get3A_1 = vector.load %arg0[%get3A, %get3A_0] : memref<16x16384xf32, #tpu.memory_space<vmem>>, vector<16x16384xf32>
    %get3A_2 = arith.constant 0 : index
    %get3A_3 = arith.constant 0 : index
    %get3A_4 = vector.load %arg2[%get3A_2, %get3A_3] : memref<16x1xf32, #tpu.memory_space<vmem>>, vector<16x1xf32>
    %add3A = vector.broadcast %get3A_4 : vector<16x1xf32> to vector<16x16384xf32>
    %add3A_5 = arith.addf %get3A_1, %add3A : vector<16x16384xf32>
    %get3A_6 = arith.constant 0 : index
    %get3A_7 = arith.constant 0 : index
    %get3A_8 = vector.load %arg1[%get3A_6, %get3A_7] : memref<16x16384xf32, #tpu.memory_space<vmem>>, vector<16x16384xf32>
    %mul3A = arith.mulf %get3A_8, %get3A_8 : vector<16x16384xf32>
    %reduce_sum3A = arith.constant dense<0.000000e+00> : vector<16384xf32>
    %reduce_sum3A_9 = vector.multi_reduction <add>, %mul3A, %reduce_sum3A [0] : vector<16x16384xf32> to vector<16384xf32>
    %broadcast_in_dim3A = vector.shape_cast %reduce_sum3A_9 : vector<16384xf32> to vector<1x16384xf32>
    %sqrt3A = math.sqrt %broadcast_in_dim3A : vector<1x16384xf32>
    %add3A_10 = arith.constant 1.000000e-07 : f32
    %add3A_11 = vector.broadcast %add3A_10 : f32 to vector<1x16384xf32>
    %add3A_12 = arith.addf %sqrt3A, %add3A_11 : vector<1x16384xf32>
    %div3A = arith.constant 1.000000e+00 : f32
    %div3A_13 = vector.broadcast %div3A : f32 to vector<1x16384xf32>
    %div3A_14 = arith.divf %div3A_13, %add3A_12 : vector<1x16384xf32>
    %min3A = arith.constant 1.000000e+00 : f32
    %min3A_15 = vector.broadcast %min3A : f32 to vector<1x16384xf32>
    %min3A_16 = arith.minimumf %min3A_15, %div3A_14 : vector<1x16384xf32>
    %mul3A_17 = arith.mulf %add3A_5, %get3A_8 : vector<16x16384xf32>
    %reduce_sum3A_18 = arith.constant dense<0.000000e+00> : vector<16384xf32>
    %reduce_sum3A_19 = vector.multi_reduction <add>, %mul3A_17, %reduce_sum3A_18 [0] : vector<16x16384xf32> to vector<16384xf32>
    %broadcast_in_dim3A_20 = vector.shape_cast %reduce_sum3A_19 : vector<16384xf32> to vector<1x16384xf32>
    %mul3A_21 = arith.mulf %broadcast_in_dim3A_20, %min3A_16 : vector<1x16384xf32>
    %mul3A_22 = arith.mulf %add3A_5, %add3A_5 : vector<16x16384xf32>
    %reduce_sum3A_23 = arith.constant dense<0.000000e+00> : vector<16384xf32>
    %reduce_sum3A_24 = vector.multi_reduction <add>, %mul3A_22, %reduce_sum3A_23 [0] : vector<16x16384xf32> to vector<16384xf32>
    %broadcast_in_dim3A_25 = vector.shape_cast %reduce_sum3A_24 : vector<16384xf32> to vector<1x16384xf32>
    %sqrt3A_26 = math.sqrt %broadcast_in_dim3A_25 : vector<1x16384xf32>
    %max3A = arith.constant 9.99999997E-7 : f32
    %max3A_27 = vector.broadcast %max3A : f32 to vector<1x16384xf32>
    %max3A_28 = arith.maximumf %sqrt3A_26, %max3A_27 : vector<1x16384xf32>
    %mul3A_29 = arith.mulf %sqrt3A, %min3A_16 : vector<1x16384xf32>
    %max3A_30 = arith.constant 9.99999997E-7 : f32
    %max3A_31 = vector.broadcast %max3A_30 : f32 to vector<1x16384xf32>
    %max3A_32 = arith.maximumf %mul3A_29, %max3A_31 : vector<1x16384xf32>
    %mul3A_33 = arith.mulf %max3A_28, %max3A_32 : vector<1x16384xf32>
    %div3A_34 = arith.divf %mul3A_21, %mul3A_33 : vector<1x16384xf32>
    %slice3A = vector.extract_strided_slice %div3A_34 {offsets = [0, 0], sizes = [1, 1024], strides = [1, 1]} : vector<1x16384xf32> to vector<1x1024xf32>
    %squeeze3A = vector.shape_cast %slice3A : vector<1x1024xf32> to vector<1024xf32>
    %swap3A = arith.constant 0 : index
    %swap3A_35 = arith.constant 0 : index
    %swap3A_36 = vector.load %arg3[%swap3A, %swap3A_35] : memref<16x1024xf32, #tpu.memory_space<vmem>>, vector<1x1024xf32>
    %swap3A_37 = vector.shape_cast %swap3A_36 : vector<1x1024xf32> to vector<1024xf32>
    %swap3A_38 = vector.shape_cast %squeeze3A : vector<1024xf32> to vector<1x1024xf32>
    tpu.vector_store %arg3[%swap3A, %swap3A_35], %swap3A_38 {strides = array<i32>} : memref<16x1024xf32, #tpu.memory_space<vmem>>, vector<1x1024xf32>,
    %slice3A_39 = vector.extract_strided_slice %div3A_34 {offsets = [0, 1024], sizes = [1, 1024], strides = [1, 1]} : vector<1x16384xf32> to vector<1x1024xf32>
    %squeeze3A_40 = vector.shape_cast %slice3A_39 : vector<1x1024xf32> to vector<1024xf32>
    %swap3A_41 = arith.constant 1 : index
    %swap3A_42 = arith.constant 0 : index
    %swap3A_43 = vector.load %arg3[%swap3A_41, %swap3A_42] : memref<16x1024xf32, #tpu.memory_space<vmem>>, vector<1x1024xf32>
    %swap3A_44 = vector.shape_cast %swap3A_43 : vector<1x1024xf32> to vector<1024xf32>
    %swap3A_45 = vector.shape_cast %squeeze3A_40 : vector<1024xf32> to vector<1x1024xf32>
    tpu.vector_store %arg3[%swap3A_41, %swap3A_42], %swap3A_45 {strides = array<i32>} : memref<16x1024xf32, #tpu.memory_space<vmem>>, vector<1x1024xf32>,
    %slice3A_46 = vector.extract_strided_slice %div3A_34 {offsets = [0, 2048], sizes = [1, 1024], strides = [1, 1]} : vector<1x16384xf32> to vector<1x1024xf32>
    %squeeze3A_47 = vector.shape_cast %slice3A_46 : vector<1x1024xf32> to vector<1024xf32>
    %swap3A_48 = arith.constant 2 : index
    %swap3A_49 = arith.constant 0 : index
    %swap3A_50 = vector.load %arg3[%swap3A_48, %swap3A_49] : memref<16x1024xf32, #tpu.memory_space<vmem>>, vector<1x1024xf32>
    %swap3A_51 = vector.shape_cast %swap3A_50 : vector<1x1024xf32> to vector<1024xf32>
    %swap3A_52 = vector.shape_cast %squeeze3A_47 : vector<1024xf32> to vector<1x1024xf32>
    tpu.vector_store %arg3[%swap3A_48, %swap3A_49], %swap3A_52 {strides = array<i32>} : memref<16x1024xf32, #tpu.memory_space<vmem>>, vector<1x1024xf32>,
    %slice3A_53 = vector.extract_strided_slice %div3A_34 {offsets = [0, 3072], sizes = [1, 1024], strides = [1, 1]} : vector<1x16384xf32> to vector<1x1024xf32>
    %squeeze3A_54 = vector.shape_cast %slice3A_53 : vector<1x1024xf32> to vector<1024xf32>
    %swap3A_55 = arith.constant 3 : index
    %swap3A_56 = arith.constant 0 : index
    %swap3A_57 = vector.load %arg3[%swap3A_55, %swap3A_56] : memref<16x1024xf32, #tpu.memory_space<vmem>>, vector<1x1024xf32>
    %swap3A_58 = vector.shape_cast %swap3A_57 : vector<1x1024xf32> to vector<1024xf32>
    %swap3A_59 = vector.shape_cast %squeeze3A_54 : vector<1024xf32> to vector<1x1024xf32>
    tpu.vector_store %arg3[%swap3A_55, %swap3A_56], %swap3A_59 {strides = array<i32>} : memref<16x1024xf32, #tpu.memory_space<vmem>>, vector<1x1024xf32>,
    %slice3A_60 = vector.extract_strided_slice %div3A_34 {offsets = [0, 4096], sizes = [1, 1024], strides = [1, 1]} : vector<1x16384xf32> to vector<1x1024xf32>
    %squeeze3A_61 = vector.shape_cast %slice3A_60 : vector<1x1024xf32> to vector<1024xf32>
    %swap3A_62 = arith.constant 4 : index
    %swap3A_63 = arith.constant 0 : index
    %swap3A_64 = vector.load %arg3[%swap3A_62, %swap3A_63] : memref<16x1024xf32, #tpu.memory_space<vmem>>, vector<1x1024xf32>
    %swap3A_65 = vector.shape_cast %swap3A_64 : vector<1x1024xf32> to vector<1024xf32>
    %swap3A_66 = vector.shape_cast %squeeze3A_61 : vector<1024xf32> to vector<1x1024xf32>
    tpu.vector_store %arg3[%swap3A_62, %swap3A_63], %swap3A_66 {strides = array<i32>} : memref<16x1024xf32, #tpu.memory_space<vmem>>, vector<1x1024xf32>,
    %slice3A_67 = vector.extract_strided_slice %div3A_34 {offsets = [0, 5120], sizes = [1, 1024], strides = [1, 1]} : vector<1x16384xf32> to vector<1x1024xf32>
    %squeeze3A_68 = vector.shape_cast %slice3A_67 : vector<1x1024xf32> to vector<1024xf32>
    %swap3A_69 = arith.constant 5 : index
    %swap3A_70 = arith.constant 0 : index
    %swap3A_71 = vector.load %arg3[%swap3A_69, %swap3A_70] : memref<16x1024xf32, #tpu.memory_space<vmem>>, vector<1x1024xf32>
    %swap3A_72 = vector.shape_cast %swap3A_71 : vector<1x1024xf32> to vector<1024xf32>
    %swap3A_73 = vector.shape_cast %squeeze3A_68 : vector<1024xf32> to vector<1x1024xf32>
    tpu.vector_store %arg3[%swap3A_69, %swap3A_70], %swap3A_73 {strides = array<i32>} : memref<16x1024xf32, #tpu.memory_space<vmem>>, vector<1x1024xf32>,
    %slice3A_74 = vector.extract_strided_slice %div3A_34 {offsets = [0, 6144], sizes = [1, 1024], strides = [1, 1]} : vector<1x16384xf32> to vector<1x1024xf32>
    %squeeze3A_75 = vector.shape_cast %slice3A_74 : vector<1x1024xf32> to vector<1024xf32>
    %swap3A_76 = arith.constant 6 : index
    %swap3A_77 = arith.constant 0 : index
    %swap3A_78 = vector.load %arg3[%swap3A_76, %swap3A_77] : memref<16x1024xf32, #tpu.memory_space<vmem>>, vector<1x1024xf32>
    %swap3A_79 = vector.shape_cast %swap3A_78 : vector<1x1024xf32> to vector<1024xf32>
    %swap3A_80 = vector.shape_cast %squeeze3A_75 : vector<1024xf32> to vector<1x1024xf32>
    tpu.vector_store %arg3[%swap3A_76, %swap3A_77], %swap3A_80 {strides = array<i32>} : memref<16x1024xf32, #tpu.memory_space<vmem>>, vector<1x1024xf32>,
    %slice3A_81 = vector.extract_strided_slice %div3A_34 {offsets = [0, 7168], sizes = [1, 1024], strides = [1, 1]} : vector<1x16384xf32> to vector<1x1024xf32>
    %squeeze3A_82 = vector.shape_cast %slice3A_81 : vector<1x1024xf32> to vector<1024xf32>
    %swap3A_83 = arith.constant 7 : index
    %swap3A_84 = arith.constant 0 : index
    %swap3A_85 = vector.load %arg3[%swap3A_83, %swap3A_84] : memref<16x1024xf32, #tpu.memory_space<vmem>>, vector<1x1024xf32>
    %swap3A_86 = vector.shape_cast %swap3A_85 : vector<1x1024xf32> to vector<1024xf32>
    %swap3A_87 = vector.shape_cast %squeeze3A_82 : vector<1024xf32> to vector<1x1024xf32>
    tpu.vector_store %arg3[%swap3A_83, %swap3A_84], %swap3A_87 {strides = array<i32>} : memref<16x1024xf32, #tpu.memory_space<vmem>>, vector<1x1024xf32>,
    %slice3A_88 = vector.extract_strided_slice %div3A_34 {offsets = [0, 8192], sizes = [1, 1024], strides = [1, 1]} : vector<1x16384xf32> to vector<1x1024xf32>
    %squeeze3A_89 = vector.shape_cast %slice3A_88 : vector<1x1024xf32> to vector<1024xf32>
    %swap3A_90 = arith.constant 8 : index
    %swap3A_91 = arith.constant 0 : index
    %swap3A_92 = vector.load %arg3[%swap3A_90, %swap3A_91] : memref<16x1024xf32, #tpu.memory_space<vmem>>, vector<1x1024xf32>
    %swap3A_93 = vector.shape_cast %swap3A_92 : vector<1x1024xf32> to vector<1024xf32>
    %swap3A_94 = vector.shape_cast %squeeze3A_89 : vector<1024xf32> to vector<1x1024xf32>
    tpu.vector_store %arg3[%swap3A_90, %swap3A_91], %swap3A_94 {strides = array<i32>} : memref<16x1024xf32, #tpu.memory_space<vmem>>, vector<1x1024xf32>,
    %slice3A_95 = vector.extract_strided_slice %div3A_34 {offsets = [0, 9216], sizes = [1, 1024], strides = [1, 1]} : vector<1x16384xf32> to vector<1x1024xf32>
    %squeeze3A_96 = vector.shape_cast %slice3A_95 : vector<1x1024xf32> to vector<1024xf32>
    %swap3A_97 = arith.constant 9 : index
    %swap3A_98 = arith.constant 0 : index
    %swap3A_99 = vector.load %arg3[%swap3A_97, %swap3A_98] : memref<16x1024xf32, #tpu.memory_space<vmem>>, vector<1x1024xf32>
    %swap3A_100 = vector.shape_cast %swap3A_99 : vector<1x1024xf32> to vector<1024xf32>
    %swap3A_101 = vector.shape_cast %squeeze3A_96 : vector<1024xf32> to vector<1x1024xf32>
    tpu.vector_store %arg3[%swap3A_97, %swap3A_98], %swap3A_101 {strides = array<i32>} : memref<16x1024xf32, #tpu.memory_space<vmem>>, vector<1x1024xf32>,
    %slice3A_102 = vector.extract_strided_slice %div3A_34 {offsets = [0, 10240], sizes = [1, 1024], strides = [1, 1]} : vector<1x16384xf32> to vector<1x1024xf32>
    %squeeze3A_103 = vector.shape_cast %slice3A_102 : vector<1x1024xf32> to vector<1024xf32>
    %swap3A_104 = arith.constant 10 : index
    %swap3A_105 = arith.constant 0 : index
    %swap3A_106 = vector.load %arg3[%swap3A_104, %swap3A_105] : memref<16x1024xf32, #tpu.memory_space<vmem>>, vector<1x1024xf32>
    %swap3A_107 = vector.shape_cast %swap3A_106 : vector<1x1024xf32> to vector<1024xf32>
    %swap3A_108 = vector.shape_cast %squeeze3A_103 : vector<1024xf32> to vector<1x1024xf32>
    tpu.vector_store %arg3[%swap3A_104, %swap3A_105], %swap3A_108 {strides = array<i32>} : memref<16x1024xf32, #tpu.memory_space<vmem>>, vector<1x1024xf32>,
    %slice3A_109 = vector.extract_strided_slice %div3A_34 {offsets = [0, 11264], sizes = [1, 1024], strides = [1, 1]} : vector<1x16384xf32> to vector<1x1024xf32>
    %squeeze3A_110 = vector.shape_cast %slice3A_109 : vector<1x1024xf32> to vector<1024xf32>
    %swap3A_111 = arith.constant 11 : index
    %swap3A_112 = arith.constant 0 : index
    %swap3A_113 = vector.load %arg3[%swap3A_111, %swap3A_112] : memref<16x1024xf32, #tpu.memory_space<vmem>>, vector<1x1024xf32>
    %swap3A_114 = vector.shape_cast %swap3A_113 : vector<1x1024xf32> to vector<1024xf32>
    %swap3A_115 = vector.shape_cast %squeeze3A_110 : vector<1024xf32> to vector<1x1024xf32>
    tpu.vector_store %arg3[%swap3A_111, %swap3A_112], %swap3A_115 {strides = array<i32>} : memref<16x1024xf32, #tpu.memory_space<vmem>>, vector<1x1024xf32>,
    %slice3A_116 = vector.extract_strided_slice %div3A_34 {offsets = [0, 12288], sizes = [1, 1024], strides = [1, 1]} : vector<1x16384xf32> to vector<1x1024xf32>
    %squeeze3A_117 = vector.shape_cast %slice3A_116 : vector<1x1024xf32> to vector<1024xf32>
    %swap3A_118 = arith.constant 12 : index
    %swap3A_119 = arith.constant 0 : index
    %swap3A_120 = vector.load %arg3[%swap3A_118, %swap3A_119] : memref<16x1024xf32, #tpu.memory_space<vmem>>, vector<1x1024xf32>
    %swap3A_121 = vector.shape_cast %swap3A_120 : vector<1x1024xf32> to vector<1024xf32>
    %swap3A_122 = vector.shape_cast %squeeze3A_117 : vector<1024xf32> to vector<1x1024xf32>
    tpu.vector_store %arg3[%swap3A_118, %swap3A_119], %swap3A_122 {strides = array<i32>} : memref<16x1024xf32, #tpu.memory_space<vmem>>, vector<1x1024xf32>,
    %slice3A_123 = vector.extract_strided_slice %div3A_34 {offsets = [0, 13312], sizes = [1, 1024], strides = [1, 1]} : vector<1x16384xf32> to vector<1x1024xf32>
    %squeeze3A_124 = vector.shape_cast %slice3A_123 : vector<1x1024xf32> to vector<1024xf32>
    %swap3A_125 = arith.constant 13 : index
    %swap3A_126 = arith.constant 0 : index
    %swap3A_127 = vector.load %arg3[%swap3A_125, %swap3A_126] : memref<16x1024xf32, #tpu.memory_space<vmem>>, vector<1x1024xf32>
    %swap3A_128 = vector.shape_cast %swap3A_127 : vector<1x1024xf32> to vector<1024xf32>
    %swap3A_129 = vector.shape_cast %squeeze3A_124 : vector<1024xf32> to vector<1x1024xf32>
    tpu.vector_store %arg3[%swap3A_125, %swap3A_126], %swap3A_129 {strides = array<i32>} : memref<16x1024xf32, #tpu.memory_space<vmem>>, vector<1x1024xf32>,
    %slice3A_130 = vector.extract_strided_slice %div3A_34 {offsets = [0, 14336], sizes = [1, 1024], strides = [1, 1]} : vector<1x16384xf32> to vector<1x1024xf32>
    %squeeze3A_131 = vector.shape_cast %slice3A_130 : vector<1x1024xf32> to vector<1024xf32>
    %swap3A_132 = arith.constant 14 : index
    %swap3A_133 = arith.constant 0 : index
    %swap3A_134 = vector.load %arg3[%swap3A_132, %swap3A_133] : memref<16x1024xf32, #tpu.memory_space<vmem>>, vector<1x1024xf32>
    %swap3A_135 = vector.shape_cast %swap3A_134 : vector<1x1024xf32> to vector<1024xf32>
    %swap3A_136 = vector.shape_cast %squeeze3A_131 : vector<1024xf32> to vector<1x1024xf32>
    tpu.vector_store %arg3[%swap3A_132, %swap3A_133], %swap3A_136 {strides = array<i32>} : memref<16x1024xf32, #tpu.memory_space<vmem>>, vector<1x1024xf32>,
    %slice3A_137 = vector.extract_strided_slice %div3A_34 {offsets = [0, 15360], sizes = [1, 1024], strides = [1, 1]} : vector<1x16384xf32> to vector<1x1024xf32>
    %squeeze3A_138 = vector.shape_cast %slice3A_137 : vector<1x1024xf32> to vector<1024xf32>
    %swap3A_139 = arith.constant 15 : index
    %swap3A_140 = arith.constant 0 : index
    %swap3A_141 = vector.load %arg3[%swap3A_139, %swap3A_140] : memref<16x1024xf32, #tpu.memory_space<vmem>>, vector<1x1024xf32>
    %swap3A_142 = vector.shape_cast %swap3A_141 : vector<1x1024xf32> to vector<1024xf32>
    %swap3A_143 = vector.shape_cast %squeeze3A_138 : vector<1024xf32> to vector<1x1024xf32>
    tpu.vector_store %arg3[%swap3A_139, %swap3A_140], %swap3A_143 {strides = array<i32>} : memref<16x1024xf32, #tpu.memory_space<vmem>>, vector<1x1024xf32>,
    return
  }
}

</mosaic_0001>

<sc_bundles>
// kernel: kernel.5.cloned.1.call-start
scs
__scs_entry_jumppad:
0x0: {  	(pc) =	sbr.rel $0x88, $3  }
0x1: {  	(tag) =	ssettag $0x0;
	lr =	simm.s32 $0x1  }
0x2: {  	[smem:$0x3F9D] =	sst lr;
	_ =	strace $0xD0000000  }
0x3: {  	_ = 	snop  }
0x4: {  	_ = 	snop  }
0x5: {  	_ = 	snop  }
0x6: {  	_ = 	snop  }
0x7: {  	_ = 	snop  }
__scs_overlays_trampoline_lowered:
0x8: {  	[smem:$0x3FAC] =	sst s0  }
0x9: {  	[smem:$0x3FAD] =	sst s1  }
0xa: {  	[smem:$0x3FAE] =	sst s2  }
0xb: {  	[smem:$0x3FAF] =	sst s3  }
0xc: {  	[smem:$0x3FB0] =	sst s4  }
0xd: {  	[smem:$0x3FB1] =	sst s5  }
0xe: {  	[smem:$0x3FB2] =	sst s6  }
0xf: {  	[smem:$0x3FB3] =	sst s7  }
0x10: {  	[smem:$0x3FB4] =	sst s8  }
0x11: {  	[smem:$0x3FB5] =	sst s9;
	s0 =	simm.s32 @!p0 $0x0  }
0x12: {  	s1 =	sld [smem:$0x3F9B];
	s0 =	simm.s32 @p0 $0x1  }
0x13: {  	[smem:$0x3FB6] =	sst s0;
	s0 =	simm.s32 @!p1 $0x0  }
0x14: {  	s2 =	sld [smem:$0x3F9A];
	s0 =	simm.s32 @p1 $0x1  }
0x15: {  	[smem:$0x3FB7] =	sst s0;
	s0 =	simm.s32 @!p2 $0x0  }
0x16: {  	s3 =	sld [smem:$0x3FDB];
	s0 =	simm.s32 @p2 $0x1  }
0x17: {  	s4 =	simm.s32 $0x1BF5;
	[smem:$0x3FB9] =	sst s0  }
0x18: {  	s0 =	sld [smem:$0x3F9C];
	_ =	swait.ge [sflag:s4], $0x0  }
0x19: {  	s7 =	sld [smem:$0x3F9D]  }
0x1a: {  	s8 =	sadd.s32 $0xFFFFE003, lr  }
0x1b: {  	s9 =	sadd.s32 $0xFFFFFEF7, lr;
	s5 =	simm.s32 $0xFFFFFFFF;
	p2 =	slt.u32 s8, $0xFFFFF086  }
0x1c: {  	p1 =	slt.u32 s9, $0xF7A;
	s5 =	simm.s32 @!p2 $0x0  }
0x1d: {  	s5 =	simm.s32 @p1 $0x1;
	p0 =	seq.s32 s7, s2  }
0x1e: {  	s7 =	smul.u32 @!p0 $0xF7A, s2;
	p2 =	seq.s32 @!p0 s5, $0x0  }
0x1f: {  	s9 =	smul.u32 $0xF7A, s1;
	s8 =	simm.s32 @!p0 $0x1BF5;
	p2 =	por !p2, p0  }
0x20: {  	[sflag:s8] =	ssyncset.s32 @!p0 $0xFFFFF086;
	s6 =	sadd.s32 @!p0 s3, s7;
	s7 =	simm.s32 @!p0 $0x108  }
0x21: {  	s3 =	sadd.s32 s3, s9;
	s6 =	sadd.s32 @!p0 $0x88, s6;
	s7 =	simm.s32 @p2 $0x1082  }
0x22: {  	[simem:s7], [sflag:s8] =	dma.local @!p0 [hbm:s6], $0xF7A  }
0x23: {  	s9 =	sor.u32 $0xD0000000, s2;
	s6 =	simm.s32 $0x108;
	_ =	swait.ge @!p0 [sflag:s8], $0x0  }
0x24: {  	s3 =	sadd.s32 $0x88, s3;
	s6 =	simm.s32 @!p1 $0x1082;
	[sflag:s4] =	ssyncset.s32 $0xFFFFF086  }
0x25: {  	[simem:s6], [sflag:s4] =	dma.local [hbm:s3], $0xF7A  }
0x26: {  	[smem:$0x3F9D] =	sst s1;
	(tag) =	ssettag s2;
	_ =	strace s9  }
0x27: {  	s1 =	sld [smem:$0x3FAD]  }
0x28: {  	s2 =	sld [smem:$0x3FAE]  }
0x29: {  	s4 =	sld [smem:$0x3FB0]  }
0x2a: {  	p0 =	seq.s32 s5, $0x0;
	s5 =	sld [smem:$0x3FB1]  }
0x2b: {  	s6 =	sld [smem:$0x3FB2]  }
0x2c: {  	s7 =	sld [smem:$0x3FB3]  }
0x2d: {  	s3 =	simm.s32 $0x108;
	s8 =	sld [smem:$0x3FB4]  }
0x2e: {  	s3 =	simm.s32 @!p0 $0x1082;
	s9 =	sld [smem:$0x3FB5]  }
0x2f: {  	lr =	sadd.s32 s0, s3;
	s0 =	sld [smem:$0x3FAC]  }
0x30: {  	s3 =	sld [smem:$0x3FAF]  }
0x31: {  	[smem:$0x3FB8] =	sst s10  }
0x32: {  	s10 =	sld [smem:$0x3FB6];
	_ =	sdelay $0x3  }
0x33: {  	p0 =	seq.s32 s10, $0x1;
	s10 =	sld [smem:$0x3FB8];
	_ =	sdelay $0x3  }
0x34: {  	[smem:$0x3FB8] =	sst s10  }
0x35: {  	s10 =	sld [smem:$0x3FB7];
	_ =	sdelay $0x3  }
0x36: {  	p1 =	seq.s32 s10, $0x1;
	s10 =	sld [smem:$0x3FB8];
	_ =	sdelay $0x3  }
0x37: {  	[smem:$0x3FB8] =	sst s10  }
0x38: {  	s10 =	sld [smem:$0x3FB9]  }
0x39: {  	_ = 	snop;
	(pc) =	sbr.ind lr, $3  }
0x3a: {  	_ = 	snop  }
0x3b: {  	_ = 	snop  }
0x3c: {  	p2 =	seq.s32 s10, $0x1;
	s10 =	sld [smem:$0x3FB8]  }
0x3d: {  	_ =	shalt  }
0x3e: {  	_ =	shalt  }
0x3f: {  	_ =	shalt  }
0x40: {  	_ =	shalt  }
0x41: {  	_ =	shalt  }
0x42: {  	_ =	shalt  }
0x43: {  	_ =	shalt  }
0x44: {  	_ =	shalt  }
0x45: {  	_ =	shalt  }
0x46: {  	_ =	shalt  }
0x47: {  	_ =	shalt  }
0x48: {  	_ =	shalt  }
0x49: {  	_ =	shalt  }
0x4a: {  	_ =	shalt  }
0x4b: {  	_ =	shalt  }
0x4c: {  	_ =	shalt  }
0x4d: {  	_ =	shalt  }
0x4e: {  	_ =	shalt  }
0x4f: {  	_ =	shalt  }
0x50: {  	_ =	shalt  }
0x51: {  	_ =	shalt  }
0x52: {  	_ =	shalt  }
0x53: {  	_ =	shalt  }
0x54: {  	_ =	shalt  }
0x55: {  	_ =	shalt  }
0x56: {  	_ =	shalt  }
0x57: {  	_ =	shalt  }
0x58: {  	_ =	shalt  }
0x59: {  	_ =	shalt  }
0x5a: {  	_ =	shalt  }
0x5b: {  	_ =	shalt  }
0x5c: {  	_ =	shalt  }
0x5d: {  	_ =	shalt  }
0x5e: {  	_ =	shalt  }
0x5f: {  	_ =	shalt  }
0x60: {  	_ =	shalt  }
0x61: {  	_ =	shalt  }
0x62: {  	_ =	shalt  }
0x63: {  	_ =	shalt  }
0x64: {  	_ =	shalt  }
0x65: {  	_ =	shalt  }
0x66: {  	_ =	shalt  }
0x67: {  	_ =	shalt  }
0x68: {  	_ =	shalt  }
0x69: {  	_ =	shalt  }
0x6a: {  	_ =	shalt  }
0x6b: {  	_ =	shalt  }
0x6c: {  	_ =	shalt  }
0x6d: {  	_ =	shalt  }
0x6e: {  	_ =	shalt  }
0x6f: {  	_ =	shalt  }
0x70: {  	_ =	shalt  }
0x71: {  	_ =	shalt  }
0x72: {  	_ =	shalt  }
0x73: {  	_ =	shalt  }
0x74: {  	_ =	shalt  }
0x75: {  	_ =	shalt  }
0x76: {  	_ =	shalt  }
0x77: {  	_ =	shalt  }
0x78: {  	_ =	shalt  }
0x79: {  	_ =	shalt  }
0x7a: {  	_ =	shalt  }
0x7b: {  	_ =	shalt  }
0x7c: {  	_ =	shalt  }
0x7d: {  	_ =	shalt  }
0x7e: {  	_ =	shalt  }
0x7f: {  	_ =	shalt  }
0x80: {  	_ =	shalt  }
0x81: {  	_ =	shalt  }
0x82: {  	_ =	shalt  }
0x83: {  	_ =	shalt  }
0x84: {  	_ =	shalt  }
0x85: {  	_ =	shalt  }
0x86: {  	_ =	shalt  }
0x87: {  	_ =	shalt  }
.Lfunc_end0:
.L_simem_size_0:
called_computation_lowered:
.L_overlay_start_0:
0x88: {  	s2 =	sld [smem:$0x3FD9]  }
0x89: {  	s3 =	sld [smem:$0x3FFE];
	_ =	sdelay $0x1  }
0x8a: {  	s1 =	srdreg.scid  }
0x8b: {  	s0 =	sand.u32 $0x1, s1  }
0x8c: {  	s17 =	sshll.u32 s0, $0xA;
	s2 =	sadd.s32 s3, s2  }
0x8d: {  	s2 =	sadd.s32 s2, s17  }
0x8e: {  	[smem:$0x3FC4] =	sst s2  }
0x8f: {  	_ = 	snop  }
0x90: {  	s2 =	sld [smem:$0x3FD0];
	(tm) =	ssettm $0x1  }
0x91: {  	s18 =	sld [smem:$0x3FFB];
	_ =	sdelay $0x3  }
0x92: {  	_ =	strace s18  }
0x93: {  	s3 =	sld [smem:$0x3FFC];
	_ =	sdelay $0x3  }
0x94: {  	_ =	strace s3  }
0x95: {  	s3 =	sld [smem:$0x3FFD];
	_ =	sdelay $0x3  }
0x96: {  	_ =	strace s3  }
0x97: {  	_ =	strace $0x8FFFFFFF  }
0x98: {  	s19 =	sld [smem:$0x3FDB];
	_ =	sdelay $0x1  }
0x99: {  	s4 =	simm.s32 $_scs_section_size  }
0x9a: {  	s5 =	simm.s32 $_size__tile_overlayer_lowered;
	s6 =	simm.s32 $_tile_overlayer_lowered  }
0x9b: {  	s22 =	simm.s32 $0x1BFF;
	s21 =	sshll.u32 s6, $0x1;
	s3 =	sadd.s32 s4, s19  }
0x9c: {  	s7 =	simm.s32 $0x0;
	s20 =	sshll.u32 s5, $0x1;
	s5 =	sadd.s32 s21, s3  }
0x9d: {  	[timem:s7], [sflag:s22] =	dma.local [hbm:s5], s20  }
0x9e: {  	_ =	swait.ge [sflag:s22], s20  }
0x9f: {  	s4 =	ssub.s32 $0x0, s20;
	[sflag:s22] =	ssyncset.done $0x0  }
0xa0: {  	[sflag:s22] =	ssyncadd.s32 s4;
	_ =	sdelay $0x1  }
0xa1: {  	s23 =	simm.s32 $0x1B8B  }
0xa2: {  	_ =	swait.ge [sflag:s23], $0x1  }
0xa3: {  	[sflag:s23] =	ssyncset.done $0x0  }
0xa4: {  	s25 =	simm.s32 $0x1B8E;
	s24 =	sld [smem:$0x3FFE];
	[sflag:s23] =	ssyncadd.s32 $0xFFFFFFFF  }
0xa5: {  	s26 =	simm.s32 $execute0_lowered;
	[smem:$0x3FD2] =	sst s25  }
0xa6: {  	s5 =	sshll.u32 s26, $0x1;
	_ =	strace $0x80000046;
	[dreg:$0x1] =	wrdreg $0xFFFFFFFF  }
0xa7: {  	s28 =	simm.s32 $_size_execute0_lowered;
	s3 =	sadd.s32 s3, s5;
	[dreg:$0x0] =	wrdreg $0x0  }
0xa8: {  	s5 =	sshll.u32 s28, $0x1;
	[dreg:$0x2] =	wrdreg s3  }
0xa9: {  	[dreg:$0x3] =	wrdreg s5  }
0xaa: {  	[dreg:$0x4] =	wrdreg $0xC0  }
0xab: {  	_ =	task [dreg:s7], $0x5FFFF  }
0xac: {  	[dreg:$0x1] =	wrdreg $0xFFFFFFFF  }
0xad: {  	[dreg:$0x0] =	wrdreg $0x60  }
0xae: {  	[dreg:$0x2] =	wrdreg s2  }
0xaf: {  	[dreg:$0x3] =	wrdreg s24  }
0xb0: {  	[dreg:$0x4] =	wrdreg $0x9  }
0xb1: {  	_ =	task.clear_ibuf [dreg:s7], $0x5FFFF;
	_ =	strace $0x90000046  }
0xb2: {  	s29 =	simm.s32 $0x9;
	_ =	strace $0x80000048  }
0xb3: {  	_ =	swait.ge [sflag:s29], $0x1  }
0xb4: {  	[sflag:s29] =	ssyncadd.s32 $0xFFFFFFFF  }
0xb5: {  	_ =	strace $0x90000048  }
0xb6: {  	_ =	sfence  }
0xb7: {  	s30 =	sld [smem:$0x0];
	_ =	sdelay $0x2  }
0xb8: {  	s31 =	sshll.u32 s1, $0xD;
	s1 =	sshrl.u32 s1, $0x2  }
0xb9: {  	s3 =	sand.u32 $0x4000, s31;
	s1 =	sadd.s32 s1, s30  }
0xba: {  	s0 =	sor.u32 s3, s0;
	s1 =	sshll.u32 s1, $0x11  }
0xbb: {  	s0 =	sor.u32 s1, s0  }
0xbc: {  	s0 =	sadd.s32 $0x8F2B, s0  }
0xbd: {  	[sflag:s0] =	ssyncadd.remote.s32 $0x1  }
0xbe: {  	_ =	sfence.sel $0xFFFF  }
0xbf: {  	[dreg:$0x0] =	wrdreg $0xFFFFFFFF;
	(pc) =	sbr.abs _section_cstart, $3  }
0xc0: {  	[dreg:$0x1] =	wrdreg $0xFFFFFFFF  }
0xc1: {  	_ =	task.clear_ibuf [dreg:s7], $0x2FFFF;
	_ =	strace $0x9FFFFFFF  }
0xc2: {  	(tm) =	ssettm $0x7FFFFFFF  }
0xc3: {  	_ =	shalt  }
tec
execute0_lowered:
.L_overlay_start_1:
0x0: {  	(tag) =	ssettag $0x1  }
0x1: {  	s1 =	srdreg.scid;
	s2 =	rddreg [dreg:$0x0]  }
0x2: {  	s0 =	stileid.u32;
	s7 =	rddreg [dreg:$0x1]  }
0x3: {  	s3 =	simm.s32 $0x0;
	s5 =	sand.u32 $0x1, s1;
	s30 =	sshll.u32 s0, $0x1  }
0x4: {  	s8 =	simm.s32 $0x1;
	s12 =	simm.s32 $0x8000;
	s6 =	sor.u32 s5, s30  }
0x5: {  	s1 =	rddreg [dreg:$0x2];
	p1 =	seq.s32 s5, $0x1;
	p0 =	seq.s32 s6, $0x0  }
0x6: {  	s13 =	simm.s32 $0x0;
	[smem:$0x7FF] =	sst s3;
	p0 =	por !p0, !p1  }
0x7: {  	s4 =	sadd.s32 $0x600, s7;
	_ =	strace $0x80000047;
	p0 =	por !p0, !p0  }
0x8: {  	s9 =	ssub.s32 $0x2, s5;
	s5 =	sshll.u32 s5, $0xC;
	s8 =	simm.s32 @!p0 $0x0  }
0x9: {  	s6 =	sshll.u32 s6, $0x9;
	s11 =	sshrl.u32 s9, $0x1;
	s8 =	ssub.s32 s0, s8  }
0xa: {  	s7 =	sadd.s32 s6, s7;
	s9 =	ssub.s32 s9, s11;
	s10 =	sshll.u32 s8, $0xA  }
0xb: {  	s11 =	simm.s32 $0x20000;
	s8 =	sshll.u32 s8, $0x7;
	s10 =	sand.u32 $0xFFFFE000, s10  }
0xc: {  	s7 =	sadd.s32 $0xE00, s7;
	s8 =	sand.u32 $0x380, s8;
	s5 =	sor.u32 s5, s10  }
0xd: {  	s10 =	simm.s32 $0x1000;
	s31 =	sor.u32 s8, s5;
	s5 =	simm.s32 $0x1  }
0xe: {  	s8 =	smax.u32 s9, $0x1;
	s9 =	simm.s32 $0x4000;
	s6 =	sadd.s32 $0x4000, s31  }
.LBB2_1:
0xf: {  	[tilespmem:s3], [sflag:$0x1] =	stream.linear.gather [hbm4b:s4+s3], $0x4000, $0x38;
	[tilespmem:$0xA000] =	vst v63  }
0x10: {  	_ =	swait.ge [sflag:s5], $0x4000  }
0x11: {  	[sflag:s5] =	ssyncset.done $0x0  }
0x12: {  	[sflag:s5] =	ssyncadd.s32 $0xFFFFC000  }
0x13: {  	[tilespmem:s9], [sflag:$0x1] =	stream.linear.gather [hbm4b:s2+s3], $0x4000, $0x38;
	[tilespmem:$0xA000] =	vst v63  }
0x14: {  	s14 =	sand.u32 $0xC00, s3;
	_ =	swait.ge [sflag:s5], $0x4000  }
0x15: {  	s15 =	sand.u32 $0x70, s3;
	s16 =	sadd.s32 s14, s6;
	[sflag:s5] =	ssyncset.done $0x0  }
0x16: {  	s16 =	sadd.s32 s15, s16;
	[sflag:s5] =	ssyncadd.s32 $0xFFFFC000  }
0x17: {  	v0 =	vld [tilespmem:s16+$0x0];
	_ =	sdelay $0x4  }
0x18: {  	v0 =	vtrunc.f32 v0  }
0x19: {  	v0 =	vcvt.f32.s32 v0;
	_ =	sdelay $0x1  }
0x1a: {  	vm0 =	vgt.s32 v0, $0x0  }
0x1b: {  	v0 =	vnsel vm0, $0x0, v0  }
0x1c: {  	v0 =	vmin.u32 v0, $0x3E7  }
0x1d: {  	v1 =	vshll.u32 v0, $0x3  }
0x1e: {  	v2 =	vand.u32 $0x7F, v0;
	v1 =	vand.u32 $0x1C00, v1  }
0x1f: {  	v2 =	vor.u32 v2, v1;
	_ =	sdelay $0x4  }
0x20: {  	v3 =	vld.idx.msk [tilespmem:v2+s3+$0x0], $0xffff  }
0x21: {  	v4 =	vor.u32 $0x80, v2;
	_ =	sdelay $0x2  }
0x22: {  	s16 =	sor.u32 s15, s14  }
0x23: {  	[tilespmem:s16+$0x8000] =	vst v3  }
0x24: {  	v3 =	vld.idx.msk [tilespmem:v4+s3+$0x0], $0xffff  }
0x25: {  	v59 =	vor.u32 $0x100, v2;
	_ =	sdelay $0x3  }
0x26: {  	[tilespmem:s16+$0x8080] =	vst v3  }
0x27: {  	v3 =	vld.idx.msk [tilespmem:v59+s3+$0x0], $0xffff  }
0x28: {  	v60 =	vor.u32 $0x180, v2;
	_ =	sdelay $0x3  }
0x29: {  	[tilespmem:s16+$0x8100] =	vst v3  }
0x2a: {  	v3 =	vld.idx.msk [tilespmem:v60+s3+$0x0], $0xffff  }
0x2b: {  	v61 =	vor.u32 $0x200, v2;
	_ =	sdelay $0x3  }
0x2c: {  	[tilespmem:s16+$0x8180] =	vst v3  }
0x2d: {  	v3 =	vld.idx.msk [tilespmem:v61+s3+$0x0], $0xffff  }
0x2e: {  	v62 =	vor.u32 $0x280, v2;
	_ =	sdelay $0x3  }
0x2f: {  	[tilespmem:s16+$0x8200] =	vst v3  }
0x30: {  	v3 =	vld.idx.msk [tilespmem:v62+s3+$0x0], $0xffff  }
0x31: {  	v63 =	vor.u32 $0x300, v2;
	_ =	sdelay $0x3  }
0x32: {  	[tilespmem:s16+$0x8280] =	vst v3  }
0x33: {  	v0 =	vor.u32 v0, v1;
	v1 =	vld.idx.msk [tilespmem:v63+s3+$0x0], $0xffff  }
0x34: {  	v3 =	vor.u32 $0x380, v0;
	_ =	sdelay $0x3  }
0x35: {  	[tilespmem:s16+$0x8300] =	vst v1  }
0x36: {  	v1 =	vld.idx.msk [tilespmem:v3+s3+$0x0], $0xffff  }
0x37: {  	v3 =	vor.u32 $0x2000, v2;
	_ =	sdelay $0x1  }
0x38: {  	s31 =	sor.u32 s3, s3  }
0x39: {  	s14 =	sor.u32 $0x380, s31  }
0x3a: {  	[tilespmem:s14+$0x8000] =	vst v1  }
0x3b: {  	v1 =	vld.idx.msk [tilespmem:v3+s3+$0x0], $0xffff  }
0x3c: {  	v3 =	vor.u32 $0x2080, v2;
	_ =	sdelay $0x3  }
0x3d: {  	[tilespmem:s16+$0x9000] =	vst v1  }
0x3e: {  	v1 =	vld.idx.msk [tilespmem:v3+s3+$0x0], $0xffff  }
0x3f: {  	v3 =	vor.u32 $0x2100, v2;
	_ =	sdelay $0x3  }
0x40: {  	[tilespmem:s16+$0x9080] =	vst v1  }
0x41: {  	v1 =	vld.idx.msk [tilespmem:v3+s3+$0x0], $0xffff  }
0x42: {  	v3 =	vor.u32 $0x2180, v2;
	_ =	sdelay $0x3  }
0x43: {  	[tilespmem:s16+$0x9100] =	vst v1  }
0x44: {  	v1 =	vld.idx.msk [tilespmem:v3+s3+$0x0], $0xffff  }
0x45: {  	v3 =	vor.u32 $0x2200, v2;
	_ =	sdelay $0x3  }
0x46: {  	[tilespmem:s16+$0x9180] =	vst v1  }
0x47: {  	v1 =	vld.idx.msk [tilespmem:v3+s3+$0x0], $0xffff  }
0x48: {  	v3 =	vor.u32 $0x2280, v2;
	_ =	sdelay $0x3  }
0x49: {  	[tilespmem:s16+$0x9200] =	vst v1  }
0x4a: {  	v1 =	vld.idx.msk [tilespmem:v3+s3+$0x0], $0xffff  }
0x4b: {  	v2 =	vor.u32 $0x2300, v2;
	_ =	sdelay $0x3  }
0x4c: {  	[tilespmem:s16+$0x9280] =	vst v1  }
0x4d: {  	v1 =	vld.idx.msk [tilespmem:v2+s3+$0x0], $0xffff  }
0x4e: {  	v0 =	vor.u32 $0x2380, v0;
	_ =	sdelay $0x3  }
0x4f: {  	[tilespmem:s16+$0x9300] =	vst v1  }
0x50: {  	v0 =	vld.idx.msk [tilespmem:v0+s3+$0x0], $0xffff  }
0x51: {  	s14 =	simm.s32 $0x80  }
0x52: {  	s15 =	simm.s32 $0x10;
	s19 =	sand.u32 $0xC00, s14  }
0x53: {  	s17 =	simm.s32 $0x100;
	s20 =	sand.u32 $0x70, s15;
	s18 =	sadd.s32 s19, s6  }
.LBB2_2:
0x54: {  	p0 =	sne.s32 s17, $0xF80  }
0x55: {  	s21 =	sadd.s32 s20, s18;
	[tilespmem:s16+$0x9380] =	vst v0;
	s18 =	smov.u32 s17;
	s17 =	sadd.s32 $0x80, s17  }
0x56: {  	v0 =	vld [tilespmem:s21+$0x0];
	_ =	sdelay $0x4  }
0x57: {  	v0 =	vtrunc.f32 v0  }
0x58: {  	v0 =	vcvt.f32.s32 v0;
	_ =	sdelay $0x1  }
0x59: {  	vm0 =	vgt.s32 v0, $0x0  }
0x5a: {  	v0 =	vnsel vm0, $0x0, v0  }
0x5b: {  	v0 =	vmin.u32 v0, $0x3E7  }
0x5c: {  	v1 =	vshll.u32 v0, $0x3  }
0x5d: {  	v2 =	vand.u32 $0x7F, v0;
	v3 =	vand.u32 $0x1C00, v1  }
0x5e: {  	v1 =	vor.u32 v2, v3;
	v0 =	vor.u32 v0, v3;
	_ =	sdelay $0x4  }
0x5f: {  	v2 =	vld.idx.msk [tilespmem:v1+s3+$0x0], $0xffff;
	_ =	sdelay $0x1  }
0x60: {  	v3 =	vor.u32 $0x80, v1;
	_ =	sdelay $0x2  }
0x61: {  	s16 =	sor.u32 s20, s19  }
0x62: {  	[tilespmem:s16+$0x8000] =	vst v2  }
0x63: {  	v2 =	vld.idx.msk [tilespmem:v3+s3+$0x0], $0xffff;
	_ =	sdelay $0x1  }
0x64: {  	v3 =	vor.u32 $0x100, v1;
	_ =	sdelay $0x3  }
0x65: {  	[tilespmem:s16+$0x8080] =	vst v2  }
0x66: {  	v2 =	vld.idx.msk [tilespmem:v3+s3+$0x0], $0xffff;
	_ =	sdelay $0x1  }
0x67: {  	v3 =	vor.u32 $0x180, v1;
	_ =	sdelay $0x3  }
0x68: {  	[tilespmem:s16+$0x8100] =	vst v2  }
0x69: {  	v2 =	vld.idx.msk [tilespmem:v3+s3+$0x0], $0xffff;
	_ =	sdelay $0x1  }
0x6a: {  	v3 =	vor.u32 $0x200, v1;
	_ =	sdelay $0x3  }
0x6b: {  	[tilespmem:s16+$0x8180] =	vst v2  }
0x6c: {  	v2 =	vld.idx.msk [tilespmem:v3+s3+$0x0], $0xffff;
	_ =	sdelay $0x1  }
0x6d: {  	v3 =	vor.u32 $0x280, v1;
	_ =	sdelay $0x3  }
0x6e: {  	[tilespmem:s16+$0x8200] =	vst v2  }
0x6f: {  	v2 =	vld.idx.msk [tilespmem:v3+s3+$0x0], $0xffff;
	_ =	sdelay $0x1  }
0x70: {  	v3 =	vor.u32 $0x300, v1;
	_ =	sdelay $0x3  }
0x71: {  	[tilespmem:s16+$0x8280] =	vst v2  }
0x72: {  	v2 =	vld.idx.msk [tilespmem:v3+s3+$0x0], $0xffff;
	_ =	sdelay $0x1  }
0x73: {  	v3 =	vor.u32 $0x380, v0;
	_ =	sdelay $0x3  }
0x74: {  	[tilespmem:s16+$0x8300] =	vst v2  }
0x75: {  	v2 =	vld.idx.msk [tilespmem:v3+s3+$0x0], $0xffff;
	_ =	sdelay $0x1  }
0x76: {  	v3 =	vor.u32 $0x2000, v1;
	_ =	sdelay $0x1  }
0x77: {  	s19 =	sor.u32 s14, s15;
	s14 =	smov.u32 s18  }
0x78: {  	s18 =	sor.u32 $0x380, s19  }
0x79: {  	[tilespmem:s18+$0x8000] =	vst v2  }
0x7a: {  	v2 =	vld.idx.msk [tilespmem:v3+s3+$0x0], $0xffff;
	_ =	sdelay $0x1  }
0x7b: {  	v3 =	vor.u32 $0x2080, v1;
	_ =	sdelay $0x3  }
0x7c: {  	[tilespmem:s16+$0x9000] =	vst v2  }
0x7d: {  	v2 =	vld.idx.msk [tilespmem:v3+s3+$0x0], $0xffff;
	_ =	sdelay $0x1  }
0x7e: {  	v3 =	vor.u32 $0x2100, v1;
	_ =	sdelay $0x3  }
0x7f: {  	[tilespmem:s16+$0x9080] =	vst v2  }
0x80: {  	v2 =	vld.idx.msk [tilespmem:v3+s3+$0x0], $0xffff;
	_ =	sdelay $0x1  }
0x81: {  	v3 =	vor.u32 $0x2180, v1;
	_ =	sdelay $0x3  }
0x82: {  	[tilespmem:s16+$0x9100] =	vst v2  }
0x83: {  	v2 =	vld.idx.msk [tilespmem:v3+s3+$0x0], $0xffff;
	_ =	sdelay $0x1  }
0x84: {  	v3 =	vor.u32 $0x2200, v1;
	_ =	sdelay $0x3  }
0x85: {  	[tilespmem:s16+$0x9180] =	vst v2  }
0x86: {  	v2 =	vld.idx.msk [tilespmem:v3+s3+$0x0], $0xffff;
	_ =	sdelay $0x1  }
0x87: {  	v3 =	vor.u32 $0x2280, v1;
	_ =	sdelay $0x3  }
0x88: {  	[tilespmem:s16+$0x9200] =	vst v2  }
0x89: {  	v2 =	vld.idx.msk [tilespmem:v3+s3+$0x0], $0xffff;
	_ =	sdelay $0x1  }
0x8a: {  	v1 =	vor.u32 $0x2300, v1;
	_ =	sdelay $0x3  }
0x8b: {  	[tilespmem:s16+$0x9280] =	vst v2  }
0x8c: {  	v1 =	vld.idx.msk [tilespmem:v1+s3+$0x0], $0xffff;
	_ =	sdelay $0x1  }
0x8d: {  	v0 =	vor.u32 $0x2380, v0;
	_ =	sdelay $0x3  }
0x8e: {  	[tilespmem:s16+$0x9300] =	vst v1  }
0x8f: {  	v0 =	vld.idx.msk [tilespmem:v0+s3+$0x0], $0xffff  }
.Ltmp0:
0x90: {  	(pc) =	sbr.rel @p0 .LBB2_2-.Ltmp0, $3  }
0x91: {  	_ =	sdelay $0x1  }
0x92: {  	s15 =	sadd.s32 $0x10, s15;
	s19 =	sand.u32 $0xC00, s14  }
0x93: {  	s20 =	sand.u32 $0x70, s15;
	s18 =	sadd.s32 s19, s6  }
0x94: {  	s17 =	sadd.s32 s20, s18;
	[tilespmem:s16+$0x9380] =	vst v0  }
0x95: {  	v0 =	vld [tilespmem:s17+$0x0];
	_ =	sdelay $0x4  }
0x96: {  	v0 =	vtrunc.f32 v0  }
0x97: {  	v0 =	vcvt.f32.s32 v0;
	_ =	sdelay $0x1  }
0x98: {  	vm0 =	vgt.s32 v0, $0x0  }
0x99: {  	v0 =	vnsel vm0, $0x0, v0  }
0x9a: {  	v0 =	vmin.u32 v0, $0x3E7  }
0x9b: {  	v1 =	vshll.u32 v0, $0x3  }
0x9c: {  	v2 =	vand.u32 $0x7F, v0;
	v1 =	vand.u32 $0x1C00, v1  }
0x9d: {  	v2 =	vor.u32 v2, v1;
	_ =	sdelay $0x4  }
0x9e: {  	v3 =	vld.idx.msk [tilespmem:v2+s3+$0x0], $0xffff  }
0x9f: {  	v4 =	vor.u32 $0x80, v2;
	_ =	sdelay $0x2  }
0xa0: {  	s31 =	sor.u32 s20, s19  }
0xa1: {  	[tilespmem:s31+$0x8000] =	vst v3  }
0xa2: {  	v3 =	vld.idx.msk [tilespmem:v4+s3+$0x0], $0xffff  }
0xa3: {  	v51 =	vor.u32 $0x100, v2;
	_ =	sdelay $0x3  }
0xa4: {  	[tilespmem:s31+$0x8080] =	vst v3  }
0xa5: {  	v3 =	vld.idx.msk [tilespmem:v51+s3+$0x0], $0xffff  }
0xa6: {  	v52 =	vor.u32 $0x180, v2;
	_ =	sdelay $0x3  }
0xa7: {  	[tilespmem:s31+$0x8100] =	vst v3  }
0xa8: {  	v3 =	vld.idx.msk [tilespmem:v52+s3+$0x0], $0xffff  }
0xa9: {  	v53 =	vor.u32 $0x200, v2;
	_ =	sdelay $0x3  }
0xaa: {  	[tilespmem:s31+$0x8180] =	vst v3  }
0xab: {  	v3 =	vld.idx.msk [tilespmem:v53+s3+$0x0], $0xffff  }
0xac: {  	v54 =	vor.u32 $0x280, v2;
	_ =	sdelay $0x3  }
0xad: {  	[tilespmem:s31+$0x8200] =	vst v3  }
0xae: {  	v3 =	vld.idx.msk [tilespmem:v54+s3+$0x0], $0xffff  }
0xaf: {  	v55 =	vor.u32 $0x300, v2;
	_ =	sdelay $0x3  }
0xb0: {  	[tilespmem:s31+$0x8280] =	vst v3  }
0xb1: {  	v0 =	vor.u32 v0, v1;
	v56 =	vld.idx.msk [tilespmem:v55+s3+$0x0], $0xffff  }
0xb2: {  	v57 =	vor.u32 $0x380, v0;
	_ =	sdelay $0x3  }
0xb3: {  	[tilespmem:s31+$0x8300] =	vst v56  }
0xb4: {  	v1 =	vld.idx.msk [tilespmem:v57+s3+$0x0], $0xffff  }
0xb5: {  	v58 =	vor.u32 $0x2000, v2;
	_ =	sdelay $0x1  }
0xb6: {  	s14 =	sor.u32 s14, s15  }
0xb7: {  	s14 =	sor.u32 $0x380, s14  }
0xb8: {  	[tilespmem:s14+$0x8000] =	vst v1  }
0xb9: {  	v1 =	vld.idx.msk [tilespmem:v58+s3+$0x0], $0xffff  }
0xba: {  	v59 =	vor.u32 $0x2080, v2;
	_ =	sdelay $0x3  }
0xbb: {  	[tilespmem:s31+$0x9000] =	vst v1  }
0xbc: {  	v1 =	vld.idx.msk [tilespmem:v59+s3+$0x0], $0xffff  }
0xbd: {  	v60 =	vor.u32 $0x2100, v2;
	_ =	sdelay $0x3  }
0xbe: {  	[tilespmem:s31+$0x9080] =	vst v1  }
0xbf: {  	v1 =	vld.idx.msk [tilespmem:v60+s3+$0x0], $0xffff  }
0xc0: {  	v61 =	vor.u32 $0x2180, v2;
	_ =	sdelay $0x3  }
0xc1: {  	[tilespmem:s31+$0x9100] =	vst v1  }
0xc2: {  	v1 =	vld.idx.msk [tilespmem:v61+s3+$0x0], $0xffff  }
0xc3: {  	v62 =	vor.u32 $0x2200, v2;
	_ =	sdelay $0x3  }
0xc4: {  	[tilespmem:s31+$0x9180] =	vst v1  }
0xc5: {  	v1 =	vld.idx.msk [tilespmem:v62+s3+$0x0], $0xffff  }
0xc6: {  	v63 =	vor.u32 $0x2280, v2;
	_ =	sdelay $0x3  }
0xc7: {  	[tilespmem:s31+$0x9200] =	vst v1  }
0xc8: {  	v1 =	vld.idx.msk [tilespmem:v63+s3+$0x0], $0xffff  }
0xc9: {  	v2 =	vor.u32 $0x2300, v2;
	_ =	sdelay $0x3  }
0xca: {  	[tilespmem:s31+$0x9280] =	vst v1  }
0xcb: {  	v1 =	vld.idx.msk [tilespmem:v2+s3+$0x0], $0xffff  }
0xcc: {  	v0 =	vor.u32 $0x2380, v0;
	_ =	sdelay $0x3  }
0xcd: {  	[tilespmem:s31+$0x9300] =	vst v1  }
0xce: {  	v0 =	vld.idx.msk [tilespmem:v0+s3+$0x0], $0xffff;
	_ =	sdelay $0x2  }
0xcf: {  	s13 =	sadd.s32 $0x1, s13  }
0xd0: {  	p0 =	sne.s32 s13, s8  }
.Ltmp1:
0xd1: {  	[tilespmem:s31+$0x9380] =	vst v0;
	(pc) =	sbr.rel @p0 .LBB2_1-.Ltmp1, $4  }
0xd2: {  	[hbm4b:s7+s10] =	stream.strided.scatter [tilespmem:s12], [sflag:$0x1], $0x2000, s11, s10, $0x38;
	[tilespmem:$0xA000] =	vst v63  }
0xd3: {  	_ =	swait.ge [sflag:s5], $0x2000  }
0xd4: {  	[sflag:s5] =	ssyncset.done $0x0  }
0xd5: {  	[sflag:s5] =	ssyncadd.s32 $0xFFFFE000  }
0xd6: {  	_ =	sfence.sel $0x180000  }
0xd7: {  	[bflag:$0x0] =	sbarrier.arrive $0xFFFF  }
0xd8: {  	p0 =	sne.s32 s0, $0x0;
	_ =	strace $0x90000047  }
0xd9: {  	s0 =	sadd.s32 @!p0 $0x100000, s1;
	[bflag:$0x2] =	sbarrier.arrive $0xFFFF  }
0xda: {  	[sflag:s0] =	ssyncadd.tile.s32 @!p0 $0x1;
	_ =	shalt  }
.Lfunc_end2:
_tile_overlayer_lowered:
.L_overlay_start_2:
0xdb: {  	(tag) =	ssettag $0x2  }
0xdc: {  	s0 =	rddreg [dreg:$0x0];
	s2 =	stileid.u32  }
0xdd: {  	s1 =	rddreg [dreg:$0x1];
	p0 =	sne.s32 s2, $0x0  }
0xde: {  	s3 =	rddreg [dreg:$0x2];
	[bflag:$0x3] =	sbarrier.arrive $0xFFFF;
	s2 =	simm.s32 @!p0 $0x1C01  }
0xdf: {  	[timem:s3], [sflag:s2] =	dma.local @!p0 [hbm:s0], s1  }
0xe0: {  	s0 =	simm.s32 @!p0 $0x1  }
0xe1: {  	_ =	swait.ge @!p0 [sflag:s0], s1  }
0xe2: {  	s1 =	ssub.s32 @!p0 $0x0, s1;
	[sflag:s0] =	ssyncset.done @!p0 $0x0  }
0xe3: {  	[sflag:s0] =	ssyncadd.s32 @!p0 s1  }
0xe4: {  	[bflag:$0x3] =	sbarrier.arrive $0xFFFF  }
0xe5: {  	_ =	shalt  }

</sc_bundles>
